<compile_context>
chip_gen: v7x
topology: tpu7x:2x2x1
jax: 0.10.2.dev20260603
libtpu: 0.0.44.dev20260713+nightly
codegen_flags: <defaults>
</compile_context>

<pallas_src>
import functools

import jax
import jax.numpy as jnp
from jax import lax
from jax.experimental import pallas as pl
from jax.experimental.pallas import tpu as pltpu
from jax.experimental.pallas import tpu_sc as plsc

RANKS = 13
SUITS = 4
RANK_DIM = 8
SUIT_DIM = 4
OUT_DIM = 16
BATCH = 16384

NC = 1
NS = 16
LANES = 16
NW = NC * NS
BPW = BATCH // NW


def _fold_body(rank_ref, suit_ref, w_ref, b_ref, out_ref):
    tr = jnp.dot(rank_ref[...], w_ref[:RANK_DIM, :],
                 preferred_element_type=jnp.float32) + b_ref[...]
    ts = jnp.dot(suit_ref[...], w_ref[RANK_DIM:, :],
                 preferred_element_type=jnp.float32)
    out_ref[...] = tr[:, None, :] + ts[None, :, :]


def _fold_tables(rank_emb, suit_emb, W, b):
    t3 = pl.pallas_call(
        _fold_body,
        out_shape=jax.ShapeDtypeStruct((RANKS, SUITS, OUT_DIM), jnp.float32),
    )(rank_emb, suit_emb, W, b.reshape(1, OUT_DIM))
    return t3.reshape(RANKS * SUITS, OUT_DIM)


def _sc_body(r_hbm, s_hbm, table_hbm, out_hbm, r_v, s_v, table_v, rows_v, sem):
    wid = lax.axis_index("s") * NC + lax.axis_index("c")
    base = pl.multiple_of(wid * BPW, 128)
    rcopy = pltpu.async_copy(r_hbm.at[pl.ds(base, BPW)], r_v, sem)
    scopy = pltpu.async_copy(s_hbm.at[pl.ds(base, BPW)], s_v, sem)
    pltpu.sync_copy(table_hbm, table_v)
    rcopy.wait()
    scopy.wait()
    lane = lax.iota(jnp.int32, LANES)
    hi0 = lane >> 3
    lo0 = (lane & 7) * OUT_DIM

    @plsc.parallel_loop(0, BPW // LANES, unroll=4)
    def _chunk(j):
        off = j * LANES
        rv = r_v[pl.ds(off, LANES)]
        sv = s_v[pl.ds(off, LANES)]
        tbase = (rv * SUITS + sv) * OUT_DIM
        hi = hi0 + 2 * j
        for c in range(OUT_DIM):
            vals = plsc.load_gather(table_v, [tbase + c])
            plsc.store_scatter(rows_v, [hi, lo0 + c], vals)

    obase = pl.multiple_of(wid * (BPW * OUT_DIM // 128), 8)
    pltpu.sync_copy(rows_v, out_hbm.at[pl.ds(obase, BPW * OUT_DIM // 128)])


@functools.lru_cache(maxsize=1)
def _sc_lookup():
    return pl.kernel(
        _sc_body,
        mesh=plsc.VectorSubcoreMesh(core_axis_name="c", subcore_axis_name="s",
                                    num_cores=NC),
        out_type=jax.ShapeDtypeStruct((BATCH * OUT_DIM // 128, 128), jnp.float32),
        scratch_types=[
            pltpu.VMEM((BPW,), jnp.int32),
            pltpu.VMEM((BPW,), jnp.int32),
            pltpu.VMEM((RANKS * SUITS * OUT_DIM,), jnp.float32),
            pltpu.VMEM((BPW * OUT_DIM // 128, 128), jnp.float32),
            pltpu.SemaphoreType.DMA,
        ],
        compiler_params=pltpu.CompilerParams(
            needs_layout_passes=False, use_tc_tiling_on_sc=True),
    )


def kernel(card_tensor, rank_emb, suit_emb, W, b):
    table = _fold_tables(rank_emb, suit_emb, W, b)
    r_idx = card_tensor[:, 0].astype(jnp.int32)
    s_idx = card_tensor[:, 1].astype(jnp.int32)
    out128 = _sc_lookup()(r_idx, s_idx, table.reshape(-1))
    return out128.reshape(BATCH, OUT_DIM)

# --- scband reference (transcript-rebuilt; emitter-appended) ---
"""Pipeline reference for scband-card-encoder-42305427865891 (READ-ONLY COPY).

The authoritative reference and input builder live on the scoring server;
editing this copy changes nothing except your own understanding.
"""

import jax, jax.numpy as jnp
import numpy as np

RANKS = 13
SUITS = 4
RANK_DIM = 8
SUIT_DIM = 4
OUT_DIM = 16
BATCH = 16384


def setup_inputs(seed: int = 0) -> dict:
    key = jax.random.key(seed)
    k1, k2, k3, k4, k5 = jax.random.split(key, 5)
    card_tensor = jax.random.randint(k1, (BATCH, 2), 0, 4, dtype=jnp.int64 if jax.config.jax_enable_x64 else jnp.int32)
    rank_emb = jax.random.normal(k2, (RANKS, RANK_DIM), dtype=jnp.float32)
    suit_emb = jax.random.normal(k3, (SUITS, SUIT_DIM), dtype=jnp.float32)
    # nn.Linear(in=12, out=16): W shape [out, in] in torch; store as [in, out] for jnp matmul
    W = jax.random.normal(k4, (RANK_DIM + SUIT_DIM, OUT_DIM), dtype=jnp.float32) * (1.0 / np.sqrt(RANK_DIM + SUIT_DIM))
    b = jax.random.normal(k5, (OUT_DIM,), dtype=jnp.float32) * 0.01
    return {"card_tensor": card_tensor, "rank_emb": rank_emb, "suit_emb": suit_emb, "W": W, "b": b}


def reference(card_tensor, rank_emb, suit_emb, W, b):
    rank_idx = card_tensor[:, 0]
    suit_idx = card_tensor[:, 1]
    r = jnp.take(rank_emb, rank_idx, axis=0)
    s = jnp.take(suit_emb, suit_idx, axis=0)
    combined = jnp.concatenate((r, s), axis=-1)
    out = combined @ W + b
    return out

if __name__ == "__main__":
    import jax
    _d = setup_inputs()
    print(jax.jit(kernel)(*tuple(_d.values())))

</pallas_src>

<mosaic_0001>
#map = affine_map<(d0, d1) -> (0)>
#map1 = affine_map<(d0, d1) -> (0, 0)>
module attributes {stable_mosaic.version = 14 : i64} {
  func.func @_sc_body(%arg0: i32, %arg1: i32, %arg2: memref<16384xi32, #tpu.memory_space<hbm>>, %arg3: memref<16384xi32, #tpu.memory_space<hbm>>, %arg4: memref<832xf32, #tpu.memory_space<hbm>>, %arg5: memref<2048x128xf32, #tpu.memory_space<hbm>>, %arg6: memref<1024xi32, #tpu.memory_space<vmem>>, %arg7: memref<1024xi32, #tpu.memory_space<vmem>>, %arg8: memref<832xf32, #tpu.memory_space<vmem>>, %arg9: memref<128x128xf32, #tpu.memory_space<vmem>>, %arg10: memref<!tpu.dma_semaphore, #tpu.memory_space<semaphore_mem>>) attributes {dimension_semantics = [#tpu.dimension_semantics<core_parallel>, #tpu.dimension_semantics<subcore_parallel>], iteration_bounds = array<i64: 1, 16>, scalar_prefetch = 0 : i64, scratch_operands = 5 : i64, tpu.core_type = #tpu.core_type<sc_vector_subcore>, window_params = [{transform_indices = #map}, {transform_indices = #map}, {transform_indices = #map}, {transform_indices = #map1}]} {
    %mul3A = arith.constant 1 : i32
    %mul3A_0 = arith.muli %arg1, %mul3A : i32
    %add3A = arith.addi %mul3A_0, %arg0 : i32
    %mul3A_1 = arith.constant 1024 : i32
    %mul3A_2 = arith.muli %add3A, %mul3A_1 : i32
    %multiple_of3A = tpu.assume_multiple %mul3A_2, 128 : i32
    %dma_start3A = tpu.memref_slice %arg2[%multiple_of3A] : memref<16384xi32, #tpu.memory_space<hbm>> -> memref<1024xi32, #tpu.memory_space<hbm>>
    %dma_start3A_3 = tpu.memref_slice %arg2[%multiple_of3A] : memref<16384xi32, #tpu.memory_space<hbm>> -> memref<1024xi32, #tpu.memory_space<hbm>>
    tpu.enqueue_dma source(%dma_start3A_3 : memref<1024xi32, #tpu.memory_space<hbm>>) target(%arg6 : memref<1024xi32, #tpu.memory_space<vmem>>) target_semaphore(%arg10 : memref<!tpu.dma_semaphore, #tpu.memory_space<semaphore_mem>>)
    %dma_start3A_4 = tpu.memref_slice %arg3[%multiple_of3A] : memref<16384xi32, #tpu.memory_space<hbm>> -> memref<1024xi32, #tpu.memory_space<hbm>>
    %dma_start3A_5 = tpu.memref_slice %arg3[%multiple_of3A] : memref<16384xi32, #tpu.memory_space<hbm>> -> memref<1024xi32, #tpu.memory_space<hbm>>
    tpu.enqueue_dma source(%dma_start3A_5 : memref<1024xi32, #tpu.memory_space<hbm>>) target(%arg7 : memref<1024xi32, #tpu.memory_space<vmem>>) target_semaphore(%arg10 : memref<!tpu.dma_semaphore, #tpu.memory_space<semaphore_mem>>)
    "tpu.region"() ({
      %run_scoped3A = tpu.sem_alloc : memref<!tpu.dma_semaphore, #tpu.memory_space<semaphore_mem>>
      tpu.enqueue_dma source(%arg4 : memref<832xf32, #tpu.memory_space<hbm>>) target(%arg8 : memref<832xf32, #tpu.memory_space<vmem>>) target_semaphore(%run_scoped3A : memref<!tpu.dma_semaphore, #tpu.memory_space<semaphore_mem>>)
      tpu.wait_dma2 semaphore(%run_scoped3A : memref<!tpu.dma_semaphore, #tpu.memory_space<semaphore_mem>>) src(%arg4 : memref<832xf32, #tpu.memory_space<hbm>>) dst(%arg8 : memref<832xf32, #tpu.memory_space<vmem>>)
      tpu.yield
    }) : () -> ()
    %dma_wait3A = tpu.memref_slice %arg2[%multiple_of3A] : memref<16384xi32, #tpu.memory_space<hbm>> -> memref<1024xi32, #tpu.memory_space<hbm>>
    %dma_wait3A_6 = tpu.memref_slice %arg2[%multiple_of3A] : memref<16384xi32, #tpu.memory_space<hbm>> -> memref<1024xi32, #tpu.memory_space<hbm>>
    tpu.wait_dma2 semaphore(%arg10 : memref<!tpu.dma_semaphore, #tpu.memory_space<semaphore_mem>>) src(%dma_wait3A_6 : memref<1024xi32, #tpu.memory_space<hbm>>) dst(%arg6 : memref<1024xi32, #tpu.memory_space<vmem>>)
    %dma_wait3A_7 = tpu.memref_slice %arg3[%multiple_of3A] : memref<16384xi32, #tpu.memory_space<hbm>> -> memref<1024xi32, #tpu.memory_space<hbm>>
    %dma_wait3A_8 = tpu.memref_slice %arg3[%multiple_of3A] : memref<16384xi32, #tpu.memory_space<hbm>> -> memref<1024xi32, #tpu.memory_space<hbm>>
    tpu.wait_dma2 semaphore(%arg10 : memref<!tpu.dma_semaphore, #tpu.memory_space<semaphore_mem>>) src(%dma_wait3A_8 : memref<1024xi32, #tpu.memory_space<hbm>>) dst(%arg7 : memref<1024xi32, #tpu.memory_space<vmem>>)
    %iota3A = tpu.iota {dimensions = array<i32: 0>} : vector<16xi32>
    %shift_right_arithmetic3A = arith.constant 3 : i32
    %shift_right_arithmetic3A_9 = vector.broadcast %shift_right_arithmetic3A : i32 to vector<16xi32>
    %shift_right_arithmetic3A_10 = arith.shrsi %iota3A, %shift_right_arithmetic3A_9 : vector<16xi32>
    %and3A = arith.constant 7 : i32
    %and3A_11 = vector.broadcast %and3A : i32 to vector<16xi32>
    %and3A_12 = arith.andi %iota3A, %and3A_11 : vector<16xi32>
    %mul3A_13 = arith.constant 16 : i32
    %mul3A_14 = vector.broadcast %mul3A_13 : i32 to vector<16xi32>
    %mul3A_15 = arith.muli %and3A_12, %mul3A_14 : vector<16xi32>
    %parallel_loop3A = arith.constant 0 : i32
    %parallel_loop3A_16 = arith.constant 64 : i32
    %parallel_loop3A_17 = arith.constant 1 : i32
    scf.for %parallel_loop3A_21 = %parallel_loop3A to %parallel_loop3A_16 step %parallel_loop3A_17  : i32 {
      %parallel_loop3A_22 = arith.constant 16 : i32
      %parallel_loop3A_23 = arith.muli %parallel_loop3A_21, %parallel_loop3A_22 : i32
      %parallel_loop3A_24 = arith.index_cast %parallel_loop3A_23 : i32 to index
      %parallel_loop3A_25 = tpu.vector_load %arg6[%parallel_loop3A_24] {strides = array<i32>} : memref<1024xi32, #tpu.memory_space<vmem>>, vector<16xi32>,
      %parallel_loop3A_26 = arith.index_cast %parallel_loop3A_23 : i32 to index
      %parallel_loop3A_27 = tpu.vector_load %arg7[%parallel_loop3A_26] {strides = array<i32>} : memref<1024xi32, #tpu.memory_space<vmem>>, vector<16xi32>,
      %parallel_loop3A_28 = arith.constant 4 : i32
      %parallel_loop3A_29 = vector.broadcast %parallel_loop3A_28 : i32 to vector<16xi32>
      %parallel_loop3A_30 = arith.muli %parallel_loop3A_25, %parallel_loop3A_29 : vector<16xi32>
      %parallel_loop3A_31 = arith.addi %parallel_loop3A_30, %parallel_loop3A_27 : vector<16xi32>
      %parallel_loop3A_32 = arith.constant 16 : i32
      %parallel_loop3A_33 = vector.broadcast %parallel_loop3A_32 : i32 to vector<16xi32>
      %parallel_loop3A_34 = arith.muli %parallel_loop3A_31, %parallel_loop3A_33 : vector<16xi32>
      %parallel_loop3A_35 = arith.constant 2 : i32
      %parallel_loop3A_36 = arith.muli %parallel_loop3A_35, %parallel_loop3A_21 : i32
      %parallel_loop3A_37 = vector.broadcast %parallel_loop3A_36 : i32 to vector<16xi32>
      %parallel_loop3A_38 = arith.addi %shift_right_arithmetic3A_10, %parallel_loop3A_37 : vector<16xi32>
      %parallel_loop3A_39 = arith.constant 0 : i32
      %parallel_loop3A_40 = vector.broadcast %parallel_loop3A_39 : i32 to vector<16xi32>
      %parallel_loop3A_41 = arith.addi %parallel_loop3A_34, %parallel_loop3A_40 : vector<16xi32>
      %parallel_loop3A_42 = tpu.vector_load_idx %arg8[%parallel_loop3A_41] : memref<832xf32, #tpu.memory_space<vmem>>[vector<16xi32>], vector<16xf32>,
      %parallel_loop3A_43 = arith.constant 0 : i32
      %parallel_loop3A_44 = vector.broadcast %parallel_loop3A_43 : i32 to vector<16xi32>
      %parallel_loop3A_45 = arith.addi %mul3A_15, %parallel_loop3A_44 : vector<16xi32>
      tpu.vector_store_idx %arg9[%parallel_loop3A_38, %parallel_loop3A_45], %parallel_loop3A_42 : memref<128x128xf32, #tpu.memory_space<vmem>>[vector<16xi32>, vector<16xi32>], vector<16xf32>,
      %parallel_loop3A_46 = arith.constant 1 : i32
      %parallel_loop3A_47 = vector.broadcast %parallel_loop3A_46 : i32 to vector<16xi32>
      %parallel_loop3A_48 = arith.addi %parallel_loop3A_34, %parallel_loop3A_47 : vector<16xi32>
      %parallel_loop3A_49 = tpu.vector_load_idx %arg8[%parallel_loop3A_48] : memref<832xf32, #tpu.memory_space<vmem>>[vector<16xi32>], vector<16xf32>,
      %parallel_loop3A_50 = arith.constant 1 : i32
      %parallel_loop3A_51 = vector.broadcast %parallel_loop3A_50 : i32 to vector<16xi32>
      %parallel_loop3A_52 = arith.addi %mul3A_15, %parallel_loop3A_51 : vector<16xi32>
      tpu.vector_store_idx %arg9[%parallel_loop3A_38, %parallel_loop3A_52], %parallel_loop3A_49 : memref<128x128xf32, #tpu.memory_space<vmem>>[vector<16xi32>, vector<16xi32>], vector<16xf32>,
      %parallel_loop3A_53 = arith.constant 2 : i32
      %parallel_loop3A_54 = vector.broadcast %parallel_loop3A_53 : i32 to vector<16xi32>
      %parallel_loop3A_55 = arith.addi %parallel_loop3A_34, %parallel_loop3A_54 : vector<16xi32>
      %parallel_loop3A_56 = tpu.vector_load_idx %arg8[%parallel_loop3A_55] : memref<832xf32, #tpu.memory_space<vmem>>[vector<16xi32>], vector<16xf32>,
      %parallel_loop3A_57 = arith.constant 2 : i32
      %parallel_loop3A_58 = vector.broadcast %parallel_loop3A_57 : i32 to vector<16xi32>
      %parallel_loop3A_59 = arith.addi %mul3A_15, %parallel_loop3A_58 : vector<16xi32>
      tpu.vector_store_idx %arg9[%parallel_loop3A_38, %parallel_loop3A_59], %parallel_loop3A_56 : memref<128x128xf32, #tpu.memory_space<vmem>>[vector<16xi32>, vector<16xi32>], vector<16xf32>,
      %parallel_loop3A_60 = arith.constant 3 : i32
      %parallel_loop3A_61 = vector.broadcast %parallel_loop3A_60 : i32 to vector<16xi32>
      %parallel_loop3A_62 = arith.addi %parallel_loop3A_34, %parallel_loop3A_61 : vector<16xi32>
      %parallel_loop3A_63 = tpu.vector_load_idx %arg8[%parallel_loop3A_62] : memref<832xf32, #tpu.memory_space<vmem>>[vector<16xi32>], vector<16xf32>,
      %parallel_loop3A_64 = arith.constant 3 : i32
      %parallel_loop3A_65 = vector.broadcast %parallel_loop3A_64 : i32 to vector<16xi32>
      %parallel_loop3A_66 = arith.addi %mul3A_15, %parallel_loop3A_65 : vector<16xi32>
      tpu.vector_store_idx %arg9[%parallel_loop3A_38, %parallel_loop3A_66], %parallel_loop3A_63 : memref<128x128xf32, #tpu.memory_space<vmem>>[vector<16xi32>, vector<16xi32>], vector<16xf32>,
      %parallel_loop3A_67 = arith.constant 4 : i32
      %parallel_loop3A_68 = vector.broadcast %parallel_loop3A_67 : i32 to vector<16xi32>
      %parallel_loop3A_69 = arith.addi %parallel_loop3A_34, %parallel_loop3A_68 : vector<16xi32>
      %parallel_loop3A_70 = tpu.vector_load_idx %arg8[%parallel_loop3A_69] : memref<832xf32, #tpu.memory_space<vmem>>[vector<16xi32>], vector<16xf32>,
      %parallel_loop3A_71 = arith.constant 4 : i32
      %parallel_loop3A_72 = vector.broadcast %parallel_loop3A_71 : i32 to vector<16xi32>
      %parallel_loop3A_73 = arith.addi %mul3A_15, %parallel_loop3A_72 : vector<16xi32>
      tpu.vector_store_idx %arg9[%parallel_loop3A_38, %parallel_loop3A_73], %parallel_loop3A_70 : memref<128x128xf32, #tpu.memory_space<vmem>>[vector<16xi32>, vector<16xi32>], vector<16xf32>,
      %parallel_loop3A_74 = arith.constant 5 : i32
      %parallel_loop3A_75 = vector.broadcast %parallel_loop3A_74 : i32 to vector<16xi32>
      %parallel_loop3A_76 = arith.addi %parallel_loop3A_34, %parallel_loop3A_75 : vector<16xi32>
      %parallel_loop3A_77 = tpu.vector_load_idx %arg8[%parallel_loop3A_76] : memref<832xf32, #tpu.memory_space<vmem>>[vector<16xi32>], vector<16xf32>,
      %parallel_loop3A_78 = arith.constant 5 : i32
      %parallel_loop3A_79 = vector.broadcast %parallel_loop3A_78 : i32 to vector<16xi32>
      %parallel_loop3A_80 = arith.addi %mul3A_15, %parallel_loop3A_79 : vector<16xi32>
      tpu.vector_store_idx %arg9[%parallel_loop3A_38, %parallel_loop3A_80], %parallel_loop3A_77 : memref<128x128xf32, #tpu.memory_space<vmem>>[vector<16xi32>, vector<16xi32>], vector<16xf32>,
      %parallel_loop3A_81 = arith.constant 6 : i32
      %parallel_loop3A_82 = vector.broadcast %parallel_loop3A_81 : i32 to vector<16xi32>
      %parallel_loop3A_83 = arith.addi %parallel_loop3A_34, %parallel_loop3A_82 : vector<16xi32>
      %parallel_loop3A_84 = tpu.vector_load_idx %arg8[%parallel_loop3A_83] : memref<832xf32, #tpu.memory_space<vmem>>[vector<16xi32>], vector<16xf32>,
      %parallel_loop3A_85 = arith.constant 6 : i32
      %parallel_loop3A_86 = vector.broadcast %parallel_loop3A_85 : i32 to vector<16xi32>
      %parallel_loop3A_87 = arith.addi %mul3A_15, %parallel_loop3A_86 : vector<16xi32>
      tpu.vector_store_idx %arg9[%parallel_loop3A_38, %parallel_loop3A_87], %parallel_loop3A_84 : memref<128x128xf32, #tpu.memory_space<vmem>>[vector<16xi32>, vector<16xi32>], vector<16xf32>,
      %parallel_loop3A_88 = arith.constant 7 : i32
      %parallel_loop3A_89 = vector.broadcast %parallel_loop3A_88 : i32 to vector<16xi32>
      %parallel_loop3A_90 = arith.addi %parallel_loop3A_34, %parallel_loop3A_89 : vector<16xi32>
      %parallel_loop3A_91 = tpu.vector_load_idx %arg8[%parallel_loop3A_90] : memref<832xf32, #tpu.memory_space<vmem>>[vector<16xi32>], vector<16xf32>,
      %parallel_loop3A_92 = arith.constant 7 : i32
      %parallel_loop3A_93 = vector.broadcast %parallel_loop3A_92 : i32 to vector<16xi32>
      %parallel_loop3A_94 = arith.addi %mul3A_15, %parallel_loop3A_93 : vector<16xi32>
      tpu.vector_store_idx %arg9[%parallel_loop3A_38, %parallel_loop3A_94], %parallel_loop3A_91 : memref<128x128xf32, #tpu.memory_space<vmem>>[vector<16xi32>, vector<16xi32>], vector<16xf32>,
      %parallel_loop3A_95 = arith.constant 8 : i32
      %parallel_loop3A_96 = vector.broadcast %parallel_loop3A_95 : i32 to vector<16xi32>
      %parallel_loop3A_97 = arith.addi %parallel_loop3A_34, %parallel_loop3A_96 : vector<16xi32>
      %parallel_loop3A_98 = tpu.vector_load_idx %arg8[%parallel_loop3A_97] : memref<832xf32, #tpu.memory_space<vmem>>[vector<16xi32>], vector<16xf32>,
      %parallel_loop3A_99 = arith.constant 8 : i32
      %parallel_loop3A_100 = vector.broadcast %parallel_loop3A_99 : i32 to vector<16xi32>
      %parallel_loop3A_101 = arith.addi %mul3A_15, %parallel_loop3A_100 : vector<16xi32>
      tpu.vector_store_idx %arg9[%parallel_loop3A_38, %parallel_loop3A_101], %parallel_loop3A_98 : memref<128x128xf32, #tpu.memory_space<vmem>>[vector<16xi32>, vector<16xi32>], vector<16xf32>,
      %parallel_loop3A_102 = arith.constant 9 : i32
      %parallel_loop3A_103 = vector.broadcast %parallel_loop3A_102 : i32 to vector<16xi32>
      %parallel_loop3A_104 = arith.addi %parallel_loop3A_34, %parallel_loop3A_103 : vector<16xi32>
      %parallel_loop3A_105 = tpu.vector_load_idx %arg8[%parallel_loop3A_104] : memref<832xf32, #tpu.memory_space<vmem>>[vector<16xi32>], vector<16xf32>,
      %parallel_loop3A_106 = arith.constant 9 : i32
      %parallel_loop3A_107 = vector.broadcast %parallel_loop3A_106 : i32 to vector<16xi32>
      %parallel_loop3A_108 = arith.addi %mul3A_15, %parallel_loop3A_107 : vector<16xi32>
      tpu.vector_store_idx %arg9[%parallel_loop3A_38, %parallel_loop3A_108], %parallel_loop3A_105 : memref<128x128xf32, #tpu.memory_space<vmem>>[vector<16xi32>, vector<16xi32>], vector<16xf32>,
      %parallel_loop3A_109 = arith.constant 10 : i32
      %parallel_loop3A_110 = vector.broadcast %parallel_loop3A_109 : i32 to vector<16xi32>
      %parallel_loop3A_111 = arith.addi %parallel_loop3A_34, %parallel_loop3A_110 : vector<16xi32>
      %parallel_loop3A_112 = tpu.vector_load_idx %arg8[%parallel_loop3A_111] : memref<832xf32, #tpu.memory_space<vmem>>[vector<16xi32>], vector<16xf32>,
      %parallel_loop3A_113 = arith.constant 10 : i32
      %parallel_loop3A_114 = vector.broadcast %parallel_loop3A_113 : i32 to vector<16xi32>
      %parallel_loop3A_115 = arith.addi %mul3A_15, %parallel_loop3A_114 : vector<16xi32>
      tpu.vector_store_idx %arg9[%parallel_loop3A_38, %parallel_loop3A_115], %parallel_loop3A_112 : memref<128x128xf32, #tpu.memory_space<vmem>>[vector<16xi32>, vector<16xi32>], vector<16xf32>,
      %parallel_loop3A_116 = arith.constant 11 : i32
      %parallel_loop3A_117 = vector.broadcast %parallel_loop3A_116 : i32 to vector<16xi32>
      %parallel_loop3A_118 = arith.addi %parallel_loop3A_34, %parallel_loop3A_117 : vector<16xi32>
      %parallel_loop3A_119 = tpu.vector_load_idx %arg8[%parallel_loop3A_118] : memref<832xf32, #tpu.memory_space<vmem>>[vector<16xi32>], vector<16xf32>,
      %parallel_loop3A_120 = arith.constant 11 : i32
      %parallel_loop3A_121 = vector.broadcast %parallel_loop3A_120 : i32 to vector<16xi32>
      %parallel_loop3A_122 = arith.addi %mul3A_15, %parallel_loop3A_121 : vector<16xi32>
      tpu.vector_store_idx %arg9[%parallel_loop3A_38, %parallel_loop3A_122], %parallel_loop3A_119 : memref<128x128xf32, #tpu.memory_space<vmem>>[vector<16xi32>, vector<16xi32>], vector<16xf32>,
      %parallel_loop3A_123 = arith.constant 12 : i32
      %parallel_loop3A_124 = vector.broadcast %parallel_loop3A_123 : i32 to vector<16xi32>
      %parallel_loop3A_125 = arith.addi %parallel_loop3A_34, %parallel_loop3A_124 : vector<16xi32>
      %parallel_loop3A_126 = tpu.vector_load_idx %arg8[%parallel_loop3A_125] : memref<832xf32, #tpu.memory_space<vmem>>[vector<16xi32>], vector<16xf32>,
      %parallel_loop3A_127 = arith.constant 12 : i32
      %parallel_loop3A_128 = vector.broadcast %parallel_loop3A_127 : i32 to vector<16xi32>
      %parallel_loop3A_129 = arith.addi %mul3A_15, %parallel_loop3A_128 : vector<16xi32>
      tpu.vector_store_idx %arg9[%parallel_loop3A_38, %parallel_loop3A_129], %parallel_loop3A_126 : memref<128x128xf32, #tpu.memory_space<vmem>>[vector<16xi32>, vector<16xi32>], vector<16xf32>,
      %parallel_loop3A_130 = arith.constant 13 : i32
      %parallel_loop3A_131 = vector.broadcast %parallel_loop3A_130 : i32 to vector<16xi32>
      %parallel_loop3A_132 = arith.addi %parallel_loop3A_34, %parallel_loop3A_131 : vector<16xi32>
      %parallel_loop3A_133 = tpu.vector_load_idx %arg8[%parallel_loop3A_132] : memref<832xf32, #tpu.memory_space<vmem>>[vector<16xi32>], vector<16xf32>,
      %parallel_loop3A_134 = arith.constant 13 : i32
      %parallel_loop3A_135 = vector.broadcast %parallel_loop3A_134 : i32 to vector<16xi32>
      %parallel_loop3A_136 = arith.addi %mul3A_15, %parallel_loop3A_135 : vector<16xi32>
      tpu.vector_store_idx %arg9[%parallel_loop3A_38, %parallel_loop3A_136], %parallel_loop3A_133 : memref<128x128xf32, #tpu.memory_space<vmem>>[vector<16xi32>, vector<16xi32>], vector<16xf32>,
      %parallel_loop3A_137 = arith.constant 14 : i32
      %parallel_loop3A_138 = vector.broadcast %parallel_loop3A_137 : i32 to vector<16xi32>
      %parallel_loop3A_139 = arith.addi %parallel_loop3A_34, %parallel_loop3A_138 : vector<16xi32>
      %parallel_loop3A_140 = tpu.vector_load_idx %arg8[%parallel_loop3A_139] : memref<832xf32, #tpu.memory_space<vmem>>[vector<16xi32>], vector<16xf32>,
      %parallel_loop3A_141 = arith.constant 14 : i32
      %parallel_loop3A_142 = vector.broadcast %parallel_loop3A_141 : i32 to vector<16xi32>
      %parallel_loop3A_143 = arith.addi %mul3A_15, %parallel_loop3A_142 : vector<16xi32>
      tpu.vector_store_idx %arg9[%parallel_loop3A_38, %parallel_loop3A_143], %parallel_loop3A_140 : memref<128x128xf32, #tpu.memory_space<vmem>>[vector<16xi32>, vector<16xi32>], vector<16xf32>,
      %parallel_loop3A_144 = arith.constant 15 : i32
      %parallel_loop3A_145 = vector.broadcast %parallel_loop3A_144 : i32 to vector<16xi32>
      %parallel_loop3A_146 = arith.addi %parallel_loop3A_34, %parallel_loop3A_145 : vector<16xi32>
      %parallel_loop3A_147 = tpu.vector_load_idx %arg8[%parallel_loop3A_146] : memref<832xf32, #tpu.memory_space<vmem>>[vector<16xi32>], vector<16xf32>,
      %parallel_loop3A_148 = arith.constant 15 : i32
      %parallel_loop3A_149 = vector.broadcast %parallel_loop3A_148 : i32 to vector<16xi32>
      %parallel_loop3A_150 = arith.addi %mul3A_15, %parallel_loop3A_149 : vector<16xi32>
      tpu.vector_store_idx %arg9[%parallel_loop3A_38, %parallel_loop3A_150], %parallel_loop3A_147 : memref<128x128xf32, #tpu.memory_space<vmem>>[vector<16xi32>, vector<16xi32>], vector<16xf32>,
    } {sc.loop_unroll_factor = 4 : i64, sc.parallel_access}
    %mul3A_18 = arith.constant 128 : i32
    %mul3A_19 = arith.muli %add3A, %mul3A_18 : i32
    %multiple_of3A_20 = tpu.assume_multiple %mul3A_19, 8 : i32
    "tpu.region"() ({
      %run_scoped3A = tpu.sem_alloc : memref<!tpu.dma_semaphore, #tpu.memory_space<semaphore_mem>>
      %dma_start3A_21 = arith.constant 0 : i32
      %dma_start3A_22 = tpu.memref_slice %arg5[%multiple_of3A_20, %dma_start3A_21] : memref<2048x128xf32, #tpu.memory_space<hbm>> -> memref<128x128xf32, #tpu.memory_space<hbm>>
      %dma_start3A_23 = arith.constant 0 : i32
      %dma_start3A_24 = tpu.memref_slice %arg5[%multiple_of3A_20, %dma_start3A_23] : memref<2048x128xf32, #tpu.memory_space<hbm>> -> memref<128x128xf32, #tpu.memory_space<hbm>>
      tpu.enqueue_dma source(%arg9 : memref<128x128xf32, #tpu.memory_space<vmem>>) target(%dma_start3A_24 : memref<128x128xf32, #tpu.memory_space<hbm>>) target_semaphore(%run_scoped3A : memref<!tpu.dma_semaphore, #tpu.memory_space<semaphore_mem>>)
      %dma_wait3A_25 = arith.constant 0 : i32
      %dma_wait3A_26 = tpu.memref_slice %arg5[%multiple_of3A_20, %dma_wait3A_25] : memref<2048x128xf32, #tpu.memory_space<hbm>> -> memref<128x128xf32, #tpu.memory_space<hbm>>
      %dma_wait3A_27 = arith.constant 0 : i32
      %dma_wait3A_28 = tpu.memref_slice %arg5[%multiple_of3A_20, %dma_wait3A_27] : memref<2048x128xf32, #tpu.memory_space<hbm>> -> memref<128x128xf32, #tpu.memory_space<hbm>>
      tpu.wait_dma2 semaphore(%run_scoped3A : memref<!tpu.dma_semaphore, #tpu.memory_space<semaphore_mem>>) src(%arg9 : memref<128x128xf32, #tpu.memory_space<vmem>>) dst(%dma_wait3A_28 : memref<128x128xf32, #tpu.memory_space<hbm>>)
      tpu.yield
    }) : () -> ()
    return
  }
}

module attributes {stable_mosaic.version = 14 : i64} {
  func.func @_fold_body(%arg0: memref<13x8xf32, #tpu.memory_space<vmem>>, %arg1: memref<4x4xf32, #tpu.memory_space<vmem>>, %arg2: memref<12x16xf32, #tpu.memory_space<vmem>>, %arg3: memref<1x16xf32, #tpu.memory_space<vmem>>, %arg4: memref<13x4x16xf32, #tpu.memory_space<vmem>>) attributes {dimension_semantics = [], scalar_prefetch = 0 : i64, scratch_operands = 0 : i64, tpu.core_type = #tpu.core_type<tc>} {
    %get3A = arith.constant 0 : index
    %get3A_0 = arith.constant 0 : index
    %get3A_1 = vector.load %arg0[%get3A, %get3A_0] : memref<13x8xf32, #tpu.memory_space<vmem>>, vector<13x8xf32>
    %get3A_2 = arith.constant 0 : index
    %get3A_3 = arith.constant 0 : index
    %get3A_4 = vector.load %arg2[%get3A_2, %get3A_3] : memref<12x16xf32, #tpu.memory_space<vmem>>, vector<8x16xf32>
    %dot_general3A = arith.constant dense<0.000000e+00> : vector<13x16xf32>
    %dot_general3A_5 = tpu.matmul %get3A_1, %get3A_4, %dot_general3A {dimension_numbers = #tpu.dot_dimension_numbers<[1], [0], [0], [1], [0, 0, 1, 1], [], []>, transpose_lhs_hint = false} : vector<13x8xf32>, vector<8x16xf32>, vector<13x16xf32> -> vector<13x16xf32>
    %get3A_6 = arith.constant 0 : index
    %get3A_7 = arith.constant 0 : index
    %get3A_8 = vector.load %arg3[%get3A_6, %get3A_7] : memref<1x16xf32, #tpu.memory_space<vmem>>, vector<1x16xf32>
    %add3A = vector.broadcast %get3A_8 : vector<1x16xf32> to vector<13x16xf32>
    %add3A_9 = arith.addf %dot_general3A_5, %add3A : vector<13x16xf32>
    %get3A_10 = arith.constant 0 : index
    %get3A_11 = arith.constant 0 : index
    %get3A_12 = vector.load %arg1[%get3A_10, %get3A_11] : memref<4x4xf32, #tpu.memory_space<vmem>>, vector<4x4xf32>
    %get3A_13 = arith.constant 8 : index
    %get3A_14 = arith.constant 0 : index
    %get3A_15 = vector.load %arg2[%get3A_13, %get3A_14] : memref<12x16xf32, #tpu.memory_space<vmem>>, vector<4x16xf32>
    %dot_general3A_16 = arith.constant dense<0.000000e+00> : vector<4x16xf32>
    %dot_general3A_17 = tpu.matmul %get3A_12, %get3A_15, %dot_general3A_16 {dimension_numbers = #tpu.dot_dimension_numbers<[1], [0], [0], [1], [0, 0, 1, 1], [], []>, transpose_lhs_hint = false} : vector<4x4xf32>, vector<4x16xf32>, vector<4x16xf32> -> vector<4x16xf32>
    %broadcast_in_dim3A = vector.shape_cast %add3A_9 : vector<13x16xf32> to vector<13x1x16xf32>
    %broadcast_in_dim3A_18 = vector.shape_cast %dot_general3A_17 : vector<4x16xf32> to vector<1x4x16xf32>
    %add3A_19 = vector.broadcast %broadcast_in_dim3A : vector<13x1x16xf32> to vector<13x4x16xf32>
    %add3A_20 = vector.broadcast %broadcast_in_dim3A_18 : vector<1x4x16xf32> to vector<13x4x16xf32>
    %add3A_21 = arith.addf %add3A_19, %add3A_20 : vector<13x4x16xf32>
    %swap3A = arith.constant 0 : index
    %swap3A_22 = arith.constant 0 : index
    %swap3A_23 = arith.constant 0 : index
    %swap3A_24 = vector.load %arg4[%swap3A, %swap3A_22, %swap3A_23] : memref<13x4x16xf32, #tpu.memory_space<vmem>>, vector<13x4x16xf32>
    tpu.vector_store %arg4[%swap3A, %swap3A_22, %swap3A_23], %add3A_21 {strides = array<i32>} : memref<13x4x16xf32, #tpu.memory_space<vmem>>, vector<13x4x16xf32>,
    return
  }
}

</mosaic_0001>

<sc_bundles>
// kernel: kernel.4.cloned.1.call-start
scs
__scs_entry_jumppad:
0x0: {  	(pc) =	sbr.rel $0x88, $3  }
0x1: {  	(tag) =	ssettag $0x0;
	lr =	simm.s32 $0x1  }
0x2: {  	[smem:$0x3F9C] =	sst lr;
	_ =	strace $0xD0000000  }
0x3: {  	_ = 	snop  }
0x4: {  	_ = 	snop  }
0x5: {  	_ = 	snop  }
0x6: {  	_ = 	snop  }
0x7: {  	_ = 	snop  }
__scs_overlays_trampoline_lowered:
0x8: {  	[smem:$0x3FAB] =	sst s0  }
0x9: {  	[smem:$0x3FAC] =	sst s1  }
0xa: {  	[smem:$0x3FAD] =	sst s2  }
0xb: {  	[smem:$0x3FAE] =	sst s3  }
0xc: {  	[smem:$0x3FAF] =	sst s4  }
0xd: {  	[smem:$0x3FB0] =	sst s5  }
0xe: {  	[smem:$0x3FB1] =	sst s6  }
0xf: {  	[smem:$0x3FB2] =	sst s7  }
0x10: {  	[smem:$0x3FB3] =	sst s8  }
0x11: {  	[smem:$0x3FB4] =	sst s9;
	s0 =	simm.s32 @!p0 $0x0  }
0x12: {  	s1 =	sld [smem:$0x3F9A];
	s0 =	simm.s32 @p0 $0x1  }
0x13: {  	[smem:$0x3FB5] =	sst s0;
	s0 =	simm.s32 @!p1 $0x0  }
0x14: {  	s2 =	sld [smem:$0x3F99];
	s0 =	simm.s32 @p1 $0x1  }
0x15: {  	[smem:$0x3FB6] =	sst s0;
	s0 =	simm.s32 @!p2 $0x0  }
0x16: {  	s3 =	sld [smem:$0x3FDB];
	s0 =	simm.s32 @p2 $0x1  }
0x17: {  	s4 =	simm.s32 $0x1BF5;
	[smem:$0x3FB8] =	sst s0  }
0x18: {  	s0 =	sld [smem:$0x3F9B];
	_ =	swait.ge [sflag:s4], $0x0  }
0x19: {  	s7 =	sld [smem:$0x3F9C]  }
0x1a: {  	s8 =	sadd.s32 $0xFFFFE003, lr  }
0x1b: {  	s9 =	sadd.s32 $0xFFFFFEF7, lr;
	s5 =	simm.s32 $0xFFFFFFFF;
	p2 =	slt.u32 s8, $0xFFFFF086  }
0x1c: {  	p1 =	slt.u32 s9, $0xF7A;
	s5 =	simm.s32 @!p2 $0x0  }
0x1d: {  	s5 =	simm.s32 @p1 $0x1;
	p0 =	seq.s32 s7, s2  }
0x1e: {  	s7 =	smul.u32 @!p0 $0xF7A, s2;
	p2 =	seq.s32 @!p0 s5, $0x0  }
0x1f: {  	s9 =	smul.u32 $0xF7A, s1;
	s8 =	simm.s32 @!p0 $0x1BF5;
	p2 =	por !p2, p0  }
0x20: {  	[sflag:s8] =	ssyncset.s32 @!p0 $0xFFFFF086;
	s6 =	sadd.s32 @!p0 s3, s7;
	s7 =	simm.s32 @!p0 $0x108  }
0x21: {  	s3 =	sadd.s32 s3, s9;
	s6 =	sadd.s32 @!p0 $0x88, s6;
	s7 =	simm.s32 @p2 $0x1082  }
0x22: {  	[simem:s7], [sflag:s8] =	dma.local @!p0 [hbm:s6], $0xF7A  }
0x23: {  	s9 =	sor.u32 $0xD0000000, s2;
	s6 =	simm.s32 $0x108;
	_ =	swait.ge @!p0 [sflag:s8], $0x0  }
0x24: {  	s3 =	sadd.s32 $0x88, s3;
	s6 =	simm.s32 @!p1 $0x1082;
	[sflag:s4] =	ssyncset.s32 $0xFFFFF086  }
0x25: {  	[simem:s6], [sflag:s4] =	dma.local [hbm:s3], $0xF7A  }
0x26: {  	[smem:$0x3F9C] =	sst s1;
	(tag) =	ssettag s2;
	_ =	strace s9  }
0x27: {  	s1 =	sld [smem:$0x3FAC]  }
0x28: {  	s2 =	sld [smem:$0x3FAD]  }
0x29: {  	s4 =	sld [smem:$0x3FAF]  }
0x2a: {  	p0 =	seq.s32 s5, $0x0;
	s5 =	sld [smem:$0x3FB0]  }
0x2b: {  	s6 =	sld [smem:$0x3FB1]  }
0x2c: {  	s7 =	sld [smem:$0x3FB2]  }
0x2d: {  	s3 =	simm.s32 $0x108;
	s8 =	sld [smem:$0x3FB3]  }
0x2e: {  	s3 =	simm.s32 @!p0 $0x1082;
	s9 =	sld [smem:$0x3FB4]  }
0x2f: {  	lr =	sadd.s32 s0, s3;
	s0 =	sld [smem:$0x3FAB]  }
0x30: {  	s3 =	sld [smem:$0x3FAE]  }
0x31: {  	[smem:$0x3FB7] =	sst s10  }
0x32: {  	s10 =	sld [smem:$0x3FB5];
	_ =	sdelay $0x3  }
0x33: {  	p0 =	seq.s32 s10, $0x1;
	s10 =	sld [smem:$0x3FB7];
	_ =	sdelay $0x3  }
0x34: {  	[smem:$0x3FB7] =	sst s10  }
0x35: {  	s10 =	sld [smem:$0x3FB6];
	_ =	sdelay $0x3  }
0x36: {  	p1 =	seq.s32 s10, $0x1;
	s10 =	sld [smem:$0x3FB7];
	_ =	sdelay $0x3  }
0x37: {  	[smem:$0x3FB7] =	sst s10  }
0x38: {  	s10 =	sld [smem:$0x3FB8]  }
0x39: {  	_ = 	snop;
	(pc) =	sbr.ind lr, $3  }
0x3a: {  	_ = 	snop  }
0x3b: {  	_ = 	snop  }
0x3c: {  	p2 =	seq.s32 s10, $0x1;
	s10 =	sld [smem:$0x3FB7]  }
0x3d: {  	_ =	shalt  }
0x3e: {  	_ =	shalt  }
0x3f: {  	_ =	shalt  }
0x40: {  	_ =	shalt  }
0x41: {  	_ =	shalt  }
0x42: {  	_ =	shalt  }
0x43: {  	_ =	shalt  }
0x44: {  	_ =	shalt  }
0x45: {  	_ =	shalt  }
0x46: {  	_ =	shalt  }
0x47: {  	_ =	shalt  }
0x48: {  	_ =	shalt  }
0x49: {  	_ =	shalt  }
0x4a: {  	_ =	shalt  }
0x4b: {  	_ =	shalt  }
0x4c: {  	_ =	shalt  }
0x4d: {  	_ =	shalt  }
0x4e: {  	_ =	shalt  }
0x4f: {  	_ =	shalt  }
0x50: {  	_ =	shalt  }
0x51: {  	_ =	shalt  }
0x52: {  	_ =	shalt  }
0x53: {  	_ =	shalt  }
0x54: {  	_ =	shalt  }
0x55: {  	_ =	shalt  }
0x56: {  	_ =	shalt  }
0x57: {  	_ =	shalt  }
0x58: {  	_ =	shalt  }
0x59: {  	_ =	shalt  }
0x5a: {  	_ =	shalt  }
0x5b: {  	_ =	shalt  }
0x5c: {  	_ =	shalt  }
0x5d: {  	_ =	shalt  }
0x5e: {  	_ =	shalt  }
0x5f: {  	_ =	shalt  }
0x60: {  	_ =	shalt  }
0x61: {  	_ =	shalt  }
0x62: {  	_ =	shalt  }
0x63: {  	_ =	shalt  }
0x64: {  	_ =	shalt  }
0x65: {  	_ =	shalt  }
0x66: {  	_ =	shalt  }
0x67: {  	_ =	shalt  }
0x68: {  	_ =	shalt  }
0x69: {  	_ =	shalt  }
0x6a: {  	_ =	shalt  }
0x6b: {  	_ =	shalt  }
0x6c: {  	_ =	shalt  }
0x6d: {  	_ =	shalt  }
0x6e: {  	_ =	shalt  }
0x6f: {  	_ =	shalt  }
0x70: {  	_ =	shalt  }
0x71: {  	_ =	shalt  }
0x72: {  	_ =	shalt  }
0x73: {  	_ =	shalt  }
0x74: {  	_ =	shalt  }
0x75: {  	_ =	shalt  }
0x76: {  	_ =	shalt  }
0x77: {  	_ =	shalt  }
0x78: {  	_ =	shalt  }
0x79: {  	_ =	shalt  }
0x7a: {  	_ =	shalt  }
0x7b: {  	_ =	shalt  }
0x7c: {  	_ =	shalt  }
0x7d: {  	_ =	shalt  }
0x7e: {  	_ =	shalt  }
0x7f: {  	_ =	shalt  }
0x80: {  	_ =	shalt  }
0x81: {  	_ =	shalt  }
0x82: {  	_ =	shalt  }
0x83: {  	_ =	shalt  }
0x84: {  	_ =	shalt  }
0x85: {  	_ =	shalt  }
0x86: {  	_ =	shalt  }
0x87: {  	_ =	shalt  }
.Lfunc_end0:
.L_simem_size_0:
called_computation_lowered:
.L_overlay_start_0:
0x88: {  	s0 =	sld [smem:$0x3FD9]  }
0x89: {  	s1 =	sld [smem:$0x3FFE];
	_ =	sdelay $0x3  }
0x8a: {  	s0 =	sadd.s32 s1, s0  }
0x8b: {  	[smem:$0x3FC3] =	sst s0  }
0x8c: {  	_ = 	snop  }
0x8d: {  	s0 =	sld [smem:$0x3FD0];
	(tm) =	ssettm $0x1  }
0x8e: {  	s16 =	sld [smem:$0x3FFB];
	_ =	sdelay $0x3  }
0x8f: {  	_ =	strace s16  }
0x90: {  	s1 =	sld [smem:$0x3FFC];
	_ =	sdelay $0x3  }
0x91: {  	_ =	strace s1  }
0x92: {  	s1 =	sld [smem:$0x3FFD];
	_ =	sdelay $0x3  }
0x93: {  	_ =	strace s1  }
0x94: {  	_ =	strace $0x8FFFFFFF  }
0x95: {  	s17 =	sld [smem:$0x3FDB];
	_ =	sdelay $0x1  }
0x96: {  	s2 =	simm.s32 $_scs_section_size  }
0x97: {  	s3 =	simm.s32 $_size__tile_overlayer_lowered;
	s4 =	simm.s32 $_tile_overlayer_lowered  }
0x98: {  	s20 =	simm.s32 $0x1BFF;
	s19 =	sshll.u32 s4, $0x1;
	s1 =	sadd.s32 s2, s17  }
0x99: {  	s5 =	simm.s32 $0x0;
	s18 =	sshll.u32 s3, $0x1;
	s3 =	sadd.s32 s19, s1  }
0x9a: {  	[timem:s5], [sflag:s20] =	dma.local [hbm:s3], s18  }
0x9b: {  	_ =	swait.ge [sflag:s20], s18  }
0x9c: {  	s2 =	ssub.s32 $0x0, s18;
	[sflag:s20] =	ssyncset.done $0x0  }
0x9d: {  	[sflag:s20] =	ssyncadd.s32 s2;
	_ =	sdelay $0x1  }
0x9e: {  	s21 =	simm.s32 $0x1B8B  }
0x9f: {  	_ =	swait.ge [sflag:s21], $0x1  }
0xa0: {  	[sflag:s21] =	ssyncset.done $0x0  }
0xa1: {  	s23 =	simm.s32 $0x1B8E;
	s22 =	sld [smem:$0x3FFE];
	[sflag:s21] =	ssyncadd.s32 $0xFFFFFFFF  }
0xa2: {  	s24 =	simm.s32 $execute0_lowered;
	[smem:$0x3FD2] =	sst s23  }
0xa3: {  	s3 =	sshll.u32 s24, $0x1;
	_ =	strace $0x80000046;
	[dreg:$0x1] =	wrdreg $0xFFFFFFFF  }
0xa4: {  	s25 =	simm.s32 $_size_execute0_lowered;
	s1 =	sadd.s32 s1, s3;
	[dreg:$0x0] =	wrdreg $0x0  }
0xa5: {  	s3 =	sshll.u32 s25, $0x1;
	[dreg:$0x2] =	wrdreg s1  }
0xa6: {  	[dreg:$0x3] =	wrdreg s3  }
0xa7: {  	[dreg:$0x4] =	wrdreg $0xC0  }
0xa8: {  	_ =	task [dreg:s5], $0x5FFFF  }
0xa9: {  	[dreg:$0x1] =	wrdreg $0xFFFFFFFF  }
0xaa: {  	[dreg:$0x0] =	wrdreg $0x60  }
0xab: {  	[dreg:$0x2] =	wrdreg s22  }
0xac: {  	[dreg:$0x3] =	wrdreg s0  }
0xad: {  	[dreg:$0x4] =	wrdreg $0x9  }
0xae: {  	_ =	task.clear_ibuf [dreg:s5], $0x5FFFF;
	_ =	strace $0x90000046  }
0xaf: {  	s26 =	simm.s32 $0x9;
	_ =	strace $0x80000048  }
0xb0: {  	_ =	swait.ge [sflag:s26], $0x1  }
0xb1: {  	[sflag:s26] =	ssyncadd.s32 $0xFFFFFFFF  }
0xb2: {  	_ =	strace $0x90000048  }
0xb3: {  	_ =	sfence  }
0xb4: {  	s28 =	sld [smem:$0x0];
	_ =	sdelay $0x1  }
0xb5: {  	s29 =	srdreg.scid  }
0xb6: {  	s30 =	sshll.u32 s29, $0xD;
	s31 =	sshrl.u32 s29, $0x2  }
0xb7: {  	s2 =	sand.u32 $0x4000, s30;
	s1 =	sand.u32 $0x1, s29;
	s0 =	sadd.s32 s31, s28  }
0xb8: {  	s1 =	sor.u32 s2, s1;
	s0 =	sshll.u32 s0, $0x11  }
0xb9: {  	s0 =	sor.u32 s0, s1  }
0xba: {  	s0 =	sadd.s32 $0x8F2B, s0  }
0xbb: {  	[sflag:s0] =	ssyncadd.remote.s32 $0x1  }
0xbc: {  	_ =	sfence.sel $0xFFFF  }
0xbd: {  	[dreg:$0x0] =	wrdreg $0xFFFFFFFF;
	(pc) =	sbr.abs _section_cstart, $3  }
0xbe: {  	[dreg:$0x1] =	wrdreg $0xFFFFFFFF  }
0xbf: {  	_ =	task.clear_ibuf [dreg:s5], $0x2FFFF;
	_ =	strace $0x9FFFFFFF  }
0xc0: {  	(tm) =	ssettm $0x7FFFFFFF  }
0xc1: {  	_ =	shalt  }
tec
execute0_lowered:
.L_overlay_start_1:
0x0: {  	(tag) =	ssettag $0x1  }
0x1: {  	s3 =	rddreg [dreg:$0x0];
	s1 =	stileid.u32  }
0x2: {  	s2 =	rddreg [dreg:$0x1];
	s4 =	simm.s32 $0x0;
	s5 =	sshll.u32 s1, $0x7  }
0x3: {  	[smem:$0x7FF] =	sst s4;
	s5 =	sadd.s32 s5, s3  }
0x4: {  	s0 =	rddreg [dreg:$0x2];
	_ =	strace $0x80000047;
	s6 =	sadd.s32 $0x1600, s5  }
0x5: {  	[tilespmem:s4], [sflag:$0x1] =	stream.linear.gather [hbm4b:s6+s4], $0x400, $0x38;
	[tilespmem:$0x4B80] =	vst v63  }
0x6: {  	s19 =	simm.s32 $0x400;
	s5 =	sadd.s32 $0xE00, s5  }
0x7: {  	[tilespmem:s19], [sflag:$0x1] =	stream.linear.gather [hbm4b:s5+s4], $0x400, $0x38;
	[tilespmem:$0x4B80] =	vst v63  }
0x8: {  	s21 =	simm.s32 $0x2;
	s20 =	sadd.s32 $0xC00, s3;
	s3 =	simm.s32 $0x800  }
0x9: {  	[tilespmem:s3], [sflag:$0x2] =	stream.linear.gather [hbm4b:s20+s4], $0x380, $0x38;
	[tilespmem:$0x4B80] =	vst v63  }
0xa: {  	_ =	swait.ge [sflag:s21], $0x380  }
0xb: {  	[sflag:s21] =	ssyncset.done $0x0  }
0xc: {  	s22 =	simm.s32 $0x1;
	[sflag:s21] =	ssyncadd.s32 $0xFFFFFC80  }
0xd: {  	_ =	swait.ge [sflag:s22], $0x400  }
0xe: {  	[sflag:s22] =	ssyncset.done $0x0  }
0xf: {  	[sflag:s22] =	ssyncadd.s32 $0xFFFFFC00  }
0x10: {  	_ =	swait.ge [sflag:s22], $0x400  }
0x11: {  	[sflag:s22] =	ssyncset.done $0x0  }
0x12: {  	s23 =	simm.s32 $0x420;
	[sflag:s22] =	ssyncadd.s32 $0xFFFFFC00  }
0x13: {  	v0 =	vld [tilespmem:s23+$0x0]  }
0x14: {  	v2 =	vld [tilespmem:s23+$0xFFFFFFF0]  }
0x15: {  	s24 =	simm.s32 $0x20;
	v1 =	vld [tilespmem:s23+$0x10]  }
0x16: {  	v3 =	vld [tilespmem:s24+$0x10]  }
0x17: {  	v4 =	vld [tilespmem:s24+$0x0]  }
0x18: {  	v5 =	vld [tilespmem:s24+$0xFFFFFFF0]  }
0x19: {  	v6 =	vlaneseq.u32  }
0x1a: {  	v7 =	vshrl.u32 v6, $0x3  }
0x1b: {  	v9 =	vmul.u32 $0x80, v7;
	v3 =	vshll.u32 v3, $0x6;
	v1 =	vshll.u32 v1, $0x4  }
0x1c: {  	v0 =	vshll.u32 v0, $0x4;
	v1 =	vadd.s32 v3, v1;
	v3 =	vshll.u32 v4, $0x6  }
0x1d: {  	s25 =	simm.s32 $0x6;
	v2 =	vshll.u32 v2, $0x4;
	v3 =	vadd.s32 v3, v0;
	v0 =	vshll.u32 v5, $0x6  }
0x1e: {  	s26 =	simm.s32 $0x4;
	v7 =	vld [tilespmem:s24+$0xFFFFFFE0];
	v4 =	vand.u32 $0x7, v6;
	v6 =	vmov s25;
	v5 =	vadd.s32 v0, v2  }
0x1f: {  	s28 =	simm.s32 $0x2;
	v11 =	vmul.u32 $0x10, v4;
	v4 =	vld [tilespmem:s23+$0xFFFFFFE0];
	v0 =	vshll.u32 v6, $0x7;
	v2 =	vmov s26  }
0x20: {  	v6 =	vmov s28;
	v0 =	vor.u32 v9, v0;
	v2 =	vshll.u32 v2, $0x7  }
0x21: {  	v6 =	vshll.u32 v6, $0x7;
	v10 =	vor.u32 v11, v0;
	v2 =	vor.u32 v9, v2;
	v8 =	vld.idx.msk [tilespmem:v1+s3+$0x0], $0xffff  }
0x22: {  	v13 =	vor.u32 $0x1, v1;
	v6 =	vor.u32 v9, v6;
	v15 =	vor.u32 v11, v2;
	v14 =	vld.idx.msk [tilespmem:v3+s3+$0x0], $0xffff  }
0x23: {  	v16 =	vor.u32 $0x1, v3;
	v18 =	vor.u32 v11, v6;
	v17 =	vld.idx.msk [tilespmem:v5+s3+$0x0], $0xffff  }
0x24: {  	v7 =	vshll.u32 v7, $0x6;
	v19 =	vor.u32 $0x1, v5;
	v4 =	vshll.u32 v4, $0x4  }
0x25: {  	s4 =	simm.s32 $0xB80;
	v4 =	vadd.s32 v7, v4  }
0x26: {  	s29 =	simm.s32 $0x0;
	v12 =	vor.u32 $0x1, v11;
	[tilespmem:v10+s4+$0x0] =	vst.idx.msk $0xffff, v8  }
0x27: {  	v7 =	vmov s29;
	v10 =	vor.u32 v12, v0;
	v8 =	vld.idx.msk [tilespmem:v13+s3+$0x0], $0xffff;
	[tilespmem:v15+s4+$0x0] =	vst.idx.msk $0xffff, v14  }
0x28: {  	v7 =	vshll.u32 v7, $0x7;
	v13 =	vor.u32 $0x2, v1;
	[tilespmem:v18+s4+$0x0] =	vst.idx.msk $0xffff, v17;
	v15 =	vld.idx.msk [tilespmem:v16+s3+$0x0], $0xffff;
	v16 =	vor.u32 v12, v2  }
0x29: {  	v7 =	vor.u32 v9, v7;
	v18 =	vor.u32 v12, v6;
	v17 =	vld.idx.msk [tilespmem:v19+s3+$0x0], $0xffff;
	v19 =	vor.u32 $0x2, v3  }
0x2a: {  	v22 =	vor.u32 $0x2, v5;
	v21 =	vor.u32 v11, v7;
	v20 =	vld.idx.msk [tilespmem:v4+s3+$0x0], $0xffff  }
0x2b: {  	v23 =	vor.u32 $0x1, v4  }
0x2c: {  	v14 =	vor.u32 $0x2, v11;
	[tilespmem:v10+s4+$0x0] =	vst.idx.msk $0xffff, v8  }
0x2d: {  	v10 =	vor.u32 v14, v0;
	v8 =	vld.idx.msk [tilespmem:v13+s3+$0x0], $0xffff;
	[tilespmem:v16+s4+$0x0] =	vst.idx.msk $0xffff, v15  }
0x2e: {  	v13 =	vor.u32 $0x3, v1;
	[tilespmem:v18+s4+$0x0] =	vst.idx.msk $0xffff, v17;
	v15 =	vld.idx.msk [tilespmem:v19+s3+$0x0], $0xffff;
	v17 =	vor.u32 v14, v2  }
0x2f: {  	[tilespmem:v21+s4+$0x0] =	vst.idx.msk $0xffff, v20;
	v20 =	vor.u32 $0x3, v3;
	v19 =	vor.u32 v14, v6;
	v18 =	vld.idx.msk [tilespmem:v22+s3+$0x0], $0xffff  }
0x30: {  	v21 =	vld.idx.msk [tilespmem:v23+s3+$0x0], $0xffff;
	v23 =	vor.u32 $0x3, v5;
	v22 =	vor.u32 v12, v7  }
0x31: {  	v24 =	vor.u32 $0x2, v4  }
0x32: {  	v16 =	vor.u32 $0x3, v11;
	[tilespmem:v10+s4+$0x0] =	vst.idx.msk $0xffff, v8  }
0x33: {  	v10 =	vor.u32 v16, v0;
	v8 =	vld.idx.msk [tilespmem:v13+s3+$0x0], $0xffff;
	[tilespmem:v17+s4+$0x0] =	vst.idx.msk $0xffff, v15  }
0x34: {  	v13 =	vor.u32 $0x4, v1;
	v17 =	vor.u32 v16, v2;
	[tilespmem:v19+s4+$0x0] =	vst.idx.msk $0xffff, v18;
	v15 =	vld.idx.msk [tilespmem:v20+s3+$0x0], $0xffff  }
0x35: {  	[tilespmem:v22+s4+$0x0] =	vst.idx.msk $0xffff, v21;
	v20 =	vor.u32 v16, v6;
	v21 =	vor.u32 $0x4, v3;
	v19 =	vld.idx.msk [tilespmem:v23+s3+$0x0], $0xffff  }
0x36: {  	v22 =	vld.idx.msk [tilespmem:v24+s3+$0x0], $0xffff;
	v23 =	vor.u32 v14, v7;
	v24 =	vor.u32 $0x4, v5  }
0x37: {  	v25 =	vor.u32 $0x3, v4  }
0x38: {  	[tilespmem:v10+s4+$0x0] =	vst.idx.msk $0xffff, v8  }
0x39: {  	v18 =	vor.u32 $0x4, v11;
	v8 =	vld.idx.msk [tilespmem:v13+s3+$0x0], $0xffff;
	[tilespmem:v17+s4+$0x0] =	vst.idx.msk $0xffff, v15  }
0x3a: {  	v10 =	vor.u32 v18, v0;
	[tilespmem:v20+s4+$0x0] =	vst.idx.msk $0xffff, v19;
	v15 =	vld.idx.msk [tilespmem:v21+s3+$0x0], $0xffff  }
0x3b: {  	v13 =	vor.u32 $0x5, v1;
	v17 =	vor.u32 v18, v2;
	[tilespmem:v23+s4+$0x0] =	vst.idx.msk $0xffff, v22;
	v19 =	vld.idx.msk [tilespmem:v24+s3+$0x0], $0xffff  }
0x3c: {  	v22 =	vor.u32 $0x5, v3;
	v23 =	vld.idx.msk [tilespmem:v25+s3+$0x0], $0xffff;
	v24 =	vor.u32 v16, v7  }
0x3d: {  	v26 =	vor.u32 $0x4, v4;
	v21 =	vor.u32 v18, v6  }
0x3e: {  	s6 =	simm.s32 $0x60;
	v25 =	vor.u32 $0x5, v5  }
0x3f: {  	v27 =	vld [tilespmem:s6+$0xFFFFFFE0];
	[tilespmem:v10+s4+$0x0] =	vst.idx.msk $0xffff, v8  }
0x40: {  	v20 =	vor.u32 $0x5, v11;
	v8 =	vld.idx.msk [tilespmem:v13+s3+$0x0], $0xffff;
	[tilespmem:v17+s4+$0x0] =	vst.idx.msk $0xffff, v15  }
0x41: {  	v10 =	vld.idx.msk [tilespmem:v22+s3+$0x0], $0xffff;
	[tilespmem:v24+s4+$0x0] =	vst.idx.msk $0xffff, v23;
	v23 =	vor.u32 v20, v0  }
0x42: {  	v13 =	vor.u32 v20, v2;
	[tilespmem:v21+s4+$0x0] =	vst.idx.msk $0xffff, v19;
	v22 =	vld.idx.msk [tilespmem:v26+s3+$0x0], $0xffff;
	v26 =	vor.u32 $0x6, v1  }
0x43: {  	v15 =	vor.u32 v20, v6;
	v19 =	vor.u32 $0x6, v3;
	v17 =	vld.idx.msk [tilespmem:v25+s3+$0x0], $0xffff  }
0x44: {  	v29 =	vld [tilespmem:s6+$0x10];
	v24 =	vor.u32 $0x6, v5  }
0x45: {  	s5 =	simm.s32 $0x460;
	v33 =	vld [tilespmem:s6+$0x0]  }
0x46: {  	v28 =	vor.u32 v18, v7;
	v21 =	vor.u32 $0x6, v11;
	v25 =	vld [tilespmem:s5+$0x0];
	[tilespmem:v23+s4+$0x0] =	vst.idx.msk $0xffff, v8  }
0x47: {  	[tilespmem:v13+s4+$0x0] =	vst.idx.msk $0xffff, v10;
	v13 =	vor.u32 $0x5, v4;
	v23 =	vld.idx.msk [tilespmem:v26+s3+$0x0], $0xffff;
	v26 =	vor.u32 v21, v0  }
0x48: {  	v31 =	vor.u32 $0x7, v1;
	v30 =	vor.u32 v21, v2;
	[tilespmem:v15+s4+$0x0] =	vst.idx.msk $0xffff, v17;
	v15 =	vld.idx.msk [tilespmem:v19+s3+$0x0], $0xffff  }
0x49: {  	v32 =	vor.u32 $0x7, v3;
	v17 =	vor.u32 v21, v6;
	v8 =	vld.idx.msk [tilespmem:v24+s3+$0x0], $0xffff  }
0x4a: {  	v10 =	vld [tilespmem:s5+$0x10];
	v24 =	vor.u32 $0x7, v5  }
0x4b: {  	[tilespmem:v28+s4+$0x0] =	vst.idx.msk $0xffff, v22;
	v28 =	vld [tilespmem:s5+$0xFFFFFFF0]  }
0x4c: {  	v13 =	vld.idx.msk [tilespmem:v13+s3+$0x0], $0xffff;
	[tilespmem:v26+s4+$0x0] =	vst.idx.msk $0xffff, v23  }
0x4d: {  	v34 =	vor.u32 v20, v7;
	v22 =	vor.u32 $0x7, v11;
	[tilespmem:v30+s4+$0x0] =	vst.idx.msk $0xffff, v15;
	v15 =	vld.idx.msk [tilespmem:v31+s3+$0x0], $0xffff  }
0x4e: {  	v27 =	vshll.u32 v27, $0x6;
	v47 =	vor.u32 v22, v2;
	v23 =	vor.u32 $0x6, v4;
	[tilespmem:v17+s4+$0x0] =	vst.idx.msk $0xffff, v8;
	v31 =	vld.idx.msk [tilespmem:v32+s3+$0x0], $0xffff  }
0x4f: {  	v37 =	vor.u32 $0x8, v1;
	v36 =	vor.u32 $0x8, v3;
	v26 =	vor.u32 v22, v6;
	v24 =	vld.idx.msk [tilespmem:v24+s3+$0x0], $0xffff  }
0x50: {  	v50 =	vor.u32 $0x9, v3;
	v8 =	vshll.u32 v29, $0x6;
	v29 =	vor.u32 $0x8, v5  }
0x51: {  	v35 =	vld [tilespmem:s6+$0xFFFFFFF0];
	v42 =	vor.u32 v21, v7;
	v19 =	vor.u32 $0x8, v11;
	v30 =	vor.u32 v22, v0  }
0x52: {  	s7 =	simm.s32 $0xE;
	v39 =	vld [tilespmem:s5+$0xFFFFFFE0];
	v25 =	vshll.u32 v25, $0x4;
	v41 =	vor.u32 v19, v2;
	v10 =	vshll.u32 v10, $0x4;
	[tilespmem:v34+s4+$0x0] =	vst.idx.msk $0xffff, v13  }
0x53: {  	v8 =	vadd.s32 v8, v10;
	v10 =	vmov s7;
	v13 =	vshll.u32 v33, $0x6;
	v23 =	vld.idx.msk [tilespmem:v23+s3+$0x0], $0xffff;
	[tilespmem:v47+s4+$0x0] =	vst.idx.msk $0xffff, v31  }
0x54: {  	[tilespmem:v26+s4+$0x0] =	vst.idx.msk $0xffff, v24;
	v26 =	vshll.u32 v10, $0x7;
	v10 =	vadd.s32 v13, v25;
	v25 =	vshll.u32 v28, $0x4;
	v28 =	vld.idx.msk [tilespmem:v36+s3+$0x0], $0xffff  }
0x55: {  	v43 =	vor.u32 $0xA, v3;
	v48 =	vor.u32 $0x7, v4;
	v24 =	vor.u32 v19, v6;
	v29 =	vld.idx.msk [tilespmem:v29+s3+$0x0], $0xffff  }
0x56: {  	v40 =	vor.u32 $0x9, v5;
	v38 =	vor.u32 v19, v0;
	v17 =	vor.u32 $0x9, v11;
	[tilespmem:v30+s4+$0x0] =	vst.idx.msk $0xffff, v15  }
0x57: {  	v15 =	vshll.u32 v35, $0x6;
	v30 =	vshll.u32 v39, $0x4;
	v31 =	vld.idx.msk [tilespmem:v37+s3+$0x0], $0xffff;
	v13 =	vor.u32 v9, v26  }
0x58: {  	s8 =	simm.s32 $0xC;
	v49 =	vld.idx.msk [tilespmem:v8+s3+$0x0], $0xffff;
	v25 =	vadd.s32 v15, v25;
	v26 =	vor.u32 v11, v13;
	[tilespmem:v42+s4+$0x0] =	vst.idx.msk $0xffff, v23  }
0x59: {  	v15 =	vadd.s32 v27, v30;
	v30 =	vmov s8;
	v23 =	vor.u32 $0x9, v1;
	[tilespmem:v41+s4+$0x0] =	vst.idx.msk $0xffff, v28  }
0x5a: {  	v51 =	vor.u32 $0x1, v8;
	v34 =	vld.idx.msk [tilespmem:v48+s3+$0x0], $0xffff;
	[tilespmem:v24+s4+$0x0] =	vst.idx.msk $0xffff, v29;
	v24 =	vshll.u32 v30, $0x7;
	v30 =	vor.u32 v22, v7  }
0x5b: {  	v54 =	vor.u32 $0x8, v4;
	v56 =	vor.u32 v17, v2;
	v27 =	vor.u32 v17, v0;
	v41 =	vld.idx.msk [tilespmem:v50+s3+$0x0], $0xffff  }
0x5c: {  	s30 =	simm.s32 $0xA;
	[tilespmem:v38+s4+$0x0] =	vst.idx.msk $0xffff, v31;
	v29 =	vor.u32 v17, v6;
	v52 =	vld.idx.msk [tilespmem:v40+s3+$0x0], $0xffff;
	v24 =	vor.u32 v9, v24  }
0x5d: {  	s31 =	simm.s32 $0x8;
	v45 =	vor.u32 v12, v13;
	v53 =	vld.idx.msk [tilespmem:v10+s3+$0x0], $0xffff;
	[tilespmem:v26+s4+$0x0] =	vst.idx.msk $0xffff, v49;
	v26 =	vmov s30;
	v55 =	vor.u32 v11, v24  }
0x5e: {  	v28 =	vor.u32 $0x1, v10;
	v38 =	vld.idx.msk [tilespmem:v23+s3+$0x0], $0xffff;
	v23 =	vshll.u32 v26, $0x7;
	v26 =	vmov s31  }
0x5f: {  	v31 =	vor.u32 $0xA, v5;
	v35 =	vld.idx.msk [tilespmem:v51+s3+$0x0], $0xffff;
	v32 =	vor.u32 v9, v23;
	v23 =	vshll.u32 v26, $0x7;
	[tilespmem:v30+s4+$0x0] =	vst.idx.msk $0xffff, v34  }
0x60: {  	v44 =	vld.idx.msk [tilespmem:v25+s3+$0x0], $0xffff;
	v58 =	vor.u32 v11, v32;
	v23 =	vor.u32 v9, v23;
	[tilespmem:v56+s4+$0x0] =	vst.idx.msk $0xffff, v41  }
0x61: {  	v61 =	vor.u32 $0x2, v8;
	v59 =	vld.idx.msk [tilespmem:v15+s3+$0x0], $0xffff;
	v60 =	vor.u32 v11, v23;
	[tilespmem:v29+s4+$0x0] =	vst.idx.msk $0xffff, v52  }
0x62: {  	v26 =	vor.u32 $0xA, v11;
	v30 =	vor.u32 $0x1, v25;
	v39 =	vld.idx.msk [tilespmem:v54+s3+$0x0], $0xffff;
	v29 =	vor.u32 v19, v7;
	[tilespmem:v55+s4+$0x0] =	vst.idx.msk $0xffff, v53  }
0x63: {  	v57 =	vor.u32 $0xA, v1;
	v48 =	vor.u32 v26, v2;
	v43 =	vld.idx.msk [tilespmem:v43+s3+$0x0], $0xffff;
	[tilespmem:v27+s4+$0x0] =	vst.idx.msk $0xffff, v38  }
0x64: {  	v62 =	vor.u32 $0x1, v15;
	v63 =	vor.u32 v26, v6;
	v31 =	vld.idx.msk [tilespmem:v31+s3+$0x0], $0xffff;
	[tilespmem:v45+s4+$0x0] =	vst.idx.msk $0xffff, v35  }
0x65: {  	v52 =	vor.u32 v12, v24;
	v27 =	vor.u32 $0x9, v4;
	v49 =	vld.idx.msk [tilespmem:v28+s3+$0x0], $0xffff;
	[tilespmem:v58+s4+$0x0] =	vst.idx.msk $0xffff, v44  }
0x66: {  	v46 =	vor.u32 v14, v13;
	v50 =	vor.u32 $0xB, v3;
	v55 =	vld.idx.msk [tilespmem:v61+s3+$0x0], $0xffff;
	[tilespmem:v60+s4+$0x0] =	vst.idx.msk $0xffff, v59  }
0x67: {  	v54 =	vor.u32 $0x2, v10;
	v53 =	vor.u32 v12, v32;
	v30 =	vld.idx.msk [tilespmem:v30+s3+$0x0], $0xffff;
	[tilespmem:v29+s4+$0x0] =	vst.idx.msk $0xffff, v39  }
0x68: {  	v38 =	vld.idx.msk [tilespmem:v57+s3+$0x0], $0xffff;
	v57 =	vor.u32 $0x3, v8;
	[tilespmem:v48+s4+$0x0] =	vst.idx.msk $0xffff, v43  }
0x69: {  	v51 =	vor.u32 v26, v0;
	v29 =	vor.u32 $0xB, v5;
	v33 =	vld.idx.msk [tilespmem:v62+s3+$0x0], $0xffff;
	[tilespmem:v63+s4+$0x0] =	vst.idx.msk $0xffff, v31  }
0x6a: {  	v31 =	vor.u32 v12, v23;
	v27 =	vld.idx.msk [tilespmem:v27+s3+$0x0], $0xffff;
	[tilespmem:v52+s4+$0x0] =	vst.idx.msk $0xffff, v49  }
0x6b: {  	v56 =	vor.u32 $0x2, v25;
	v59 =	vor.u32 v17, v7;
	v42 =	vld.idx.msk [tilespmem:v50+s3+$0x0], $0xffff;
	[tilespmem:v46+s4+$0x0] =	vst.idx.msk $0xffff, v55  }
0x6c: {  	v58 =	vor.u32 $0x2, v15;
	v48 =	vor.u32 v14, v24;
	[tilespmem:v53+s4+$0x0] =	vst.idx.msk $0xffff, v30;
	v30 =	vld.idx.msk [tilespmem:v54+s3+$0x0], $0xffff  }
0x6d: {  	v28 =	vor.u32 $0xB, v11;
	v60 =	vor.u32 $0xA, v4;
	v41 =	vld.idx.msk [tilespmem:v57+s3+$0x0], $0xffff;
	v54 =	vor.u32 v16, v13  }
0x6e: {  	[tilespmem:v51+s4+$0x0] =	vst.idx.msk $0xffff, v38;
	v55 =	vor.u32 $0x4, v8;
	v61 =	vld.idx.msk [tilespmem:v29+s3+$0x0], $0xffff;
	v29 =	vor.u32 v28, v2  }
0x6f: {  	v62 =	vor.u32 v28, v6;
	v63 =	vor.u32 $0xC, v3;
	[tilespmem:v31+s4+$0x0] =	vst.idx.msk $0xffff, v33  }
0x70: {  	v49 =	vor.u32 $0xC, v5;
	v40 =	vld.idx.msk [tilespmem:v56+s3+$0x0], $0xffff;
	[tilespmem:v59+s4+$0x0] =	vst.idx.msk $0xffff, v27  }
0x71: {  	v50 =	vor.u32 $0x3, v10;
	v31 =	vor.u32 v14, v32;
	v35 =	vld.idx.msk [tilespmem:v58+s3+$0x0], $0xffff;
	[tilespmem:v48+s4+$0x0] =	vst.idx.msk $0xffff, v30  }
0x72: {  	v51 =	vor.u32 $0x3, v25;
	v27 =	vor.u32 v14, v23;
	v34 =	vld.idx.msk [tilespmem:v60+s3+$0x0], $0xffff;
	[tilespmem:v54+s4+$0x0] =	vst.idx.msk $0xffff, v41  }
0x73: {  	v47 =	vor.u32 v26, v7;
	v56 =	vor.u32 $0x3, v15;
	[tilespmem:v29+s4+$0x0] =	vst.idx.msk $0xffff, v42;
	v29 =	vor.u32 $0xC, v11;
	v43 =	vld.idx.msk [tilespmem:v55+s3+$0x0], $0xffff  }
0x74: {  	v30 =	vor.u32 $0xB, v4;
	[tilespmem:v62+s4+$0x0] =	vst.idx.msk $0xffff, v61;
	v57 =	vld.idx.msk [tilespmem:v63+s3+$0x0], $0xffff;
	v52 =	vor.u32 v29, v2  }
0x75: {  	v58 =	vor.u32 $0xD, v3;
	v37 =	vld.idx.msk [tilespmem:v49+s3+$0x0], $0xffff;
	v53 =	vor.u32 v29, v6  }
0x76: {  	v59 =	vor.u32 v16, v24;
	v60 =	vor.u32 $0xD, v5;
	[tilespmem:v31+s4+$0x0] =	vst.idx.msk $0xffff, v40;
	v31 =	vld.idx.msk [tilespmem:v50+s3+$0x0], $0xffff  }
0x77: {  	v61 =	vor.u32 $0x4, v10;
	v63 =	vor.u32 v18, v13;
	v40 =	vld.idx.msk [tilespmem:v51+s3+$0x0], $0xffff;
	[tilespmem:v27+s4+$0x0] =	vst.idx.msk $0xffff, v35  }
0x78: {  	v55 =	vor.u32 $0x5, v8;
	v27 =	vor.u32 v16, v32;
	[tilespmem:v47+s4+$0x0] =	vst.idx.msk $0xffff, v34;
	v42 =	vld.idx.msk [tilespmem:v56+s3+$0x0], $0xffff  }
0x79: {  	v54 =	vor.u32 v16, v23;
	v62 =	vor.u32 $0x4, v25;
	v48 =	vld.idx.msk [tilespmem:v30+s3+$0x0], $0xffff;
	[tilespmem:v52+s4+$0x0] =	vst.idx.msk $0xffff, v57  }
0x7a: {  	v56 =	vor.u32 $0x4, v15;
	v30 =	vor.u32 $0xD, v11;
	v57 =	vor.u32 v28, v7;
	[tilespmem:v53+s4+$0x0] =	vst.idx.msk $0xffff, v37;
	v58 =	vld.idx.msk [tilespmem:v58+s3+$0x0], $0xffff  }
0x7b: {  	v49 =	vor.u32 v30, v2;
	[tilespmem:v59+s4+$0x0] =	vst.idx.msk $0xffff, v31;
	v31 =	vor.u32 $0xC, v4;
	v37 =	vld.idx.msk [tilespmem:v60+s3+$0x0], $0xffff  }
0x7c: {  	v50 =	vor.u32 $0xE, v3;
	v59 =	vor.u32 v30, v6;
	[tilespmem:v63+s4+$0x0] =	vst.idx.msk $0xffff, v43;
	v35 =	vld.idx.msk [tilespmem:v61+s3+$0x0], $0xffff  }
0x7d: {  	v51 =	vor.u32 v18, v24;
	[tilespmem:v27+s4+$0x0] =	vst.idx.msk $0xffff, v40;
	v60 =	vor.u32 $0xE, v5;
	v41 =	vld.idx.msk [tilespmem:v55+s3+$0x0], $0xffff  }
0x7e: {  	v61 =	vor.u32 v18, v32;
	v45 =	vld.idx.msk [tilespmem:v62+s3+$0x0], $0xffff;
	[tilespmem:v54+s4+$0x0] =	vst.idx.msk $0xffff, v42;
	v62 =	vor.u32 $0x5, v10  }
0x7f: {  	v63 =	vor.u32 $0x5, v25;
	v44 =	vld.idx.msk [tilespmem:v56+s3+$0x0], $0xffff;
	[tilespmem:v57+s4+$0x0] =	vst.idx.msk $0xffff, v48  }
0x80: {  	v36 =	vor.u32 $0xB, v1;
	v48 =	vor.u32 v18, v23;
	v39 =	vld.idx.msk [tilespmem:v31+s3+$0x0], $0xffff;
	[tilespmem:v49+s4+$0x0] =	vst.idx.msk $0xffff, v58  }
0x81: {  	v43 =	vor.u32 v29, v7;
	v31 =	vor.u32 $0xE, v11;
	[tilespmem:v59+s4+$0x0] =	vst.idx.msk $0xffff, v37;
	v37 =	vld.idx.msk [tilespmem:v50+s3+$0x0], $0xffff  }
0x82: {  	v38 =	vor.u32 $0xD, v4;
	[tilespmem:v51+s4+$0x0] =	vst.idx.msk $0xffff, v35;
	v35 =	vld.idx.msk [tilespmem:v60+s3+$0x0], $0xffff;
	v42 =	vor.u32 v31, v2  }
0x83: {  	v33 =	vor.u32 v20, v32;
	[tilespmem:v61+s4+$0x0] =	vst.idx.msk $0xffff, v45;
	v45 =	vld.idx.msk [tilespmem:v62+s3+$0x0], $0xffff;
	v40 =	vor.u32 v31, v6  }
0x84: {  	s8 =	simm.s32 $0x4;
	v34 =	vor.u32 v28, v0;
	v47 =	vor.u32 v20, v24;
	v27 =	vor.u32 $0xF, v11;
	v46 =	vld.idx.msk [tilespmem:v63+s3+$0x0], $0xffff  }
.LBB2_1:
0x85: {  	s8 =	sadd.s32 $0x4, s8;
	[tilespmem:v48+s4+$0x0] =	vst.idx.msk $0xffff, v44;
	s6 =	sadd.s32 $0x40, s6;
	s5 =	sadd.s32 $0x40, s5;
	v36 =	vld.idx.msk [tilespmem:v36+s3+$0x0], $0xffff  }
0x86: {  	v44 =	vld [tilespmem:s5+$0x0];
	p0 =	slt.u32 s8, $0x3C;
	[tilespmem:v43+s4+$0x0] =	vst.idx.msk $0xffff, v39  }
0x87: {  	v39 =	vor.u32 $0xF, v5;
	v5 =	vmov v25;
	v38 =	vld.idx.msk [tilespmem:v38+s3+$0x0], $0xffff;
	[tilespmem:v42+s4+$0x0] =	vst.idx.msk $0xffff, v37;
	v37 =	vor.u32 $0xC, v1  }
0x88: {  	v42 =	vor.u32 v30, v7;
	v25 =	vld [tilespmem:s6+$0xFFFFFFE0];
	[tilespmem:v40+s4+$0x0] =	vst.idx.msk $0xffff, v35  }
0x89: {  	v43 =	vor.u32 v20, v13;
	v40 =	vor.u32 $0x6, v10;
	v35 =	vld [tilespmem:s5+$0xFFFFFFF0];
	[tilespmem:v47+s4+$0x0] =	vst.idx.msk $0xffff, v45  }
0x8a: {  	v45 =	vld [tilespmem:s5+$0x10];
	[tilespmem:v33+s4+$0x0] =	vst.idx.msk $0xffff, v46;
	v33 =	vor.u32 $0x6, v5  }
0x8b: {  	v47 =	vor.u32 $0x6, v8;
	v46 =	vld [tilespmem:s5+$0xFFFFFFE0];
	[tilespmem:v34+s4+$0x0] =	vst.idx.msk $0xffff, v36  }
0x8c: {  	v34 =	vor.u32 $0x5, v15;
	v36 =	vld.idx.msk [tilespmem:v39+s3+$0x0], $0xffff  }
0x8d: {  	v39 =	vor.u32 v29, v0;
	[tilespmem:v42+s4+$0x0] =	vst.idx.msk $0xffff, v38;
	v38 =	vor.u32 v27, v6;
	v37 =	vld.idx.msk [tilespmem:v37+s3+$0x0], $0xffff  }
0x8e: {  	v42 =	vor.u32 $0xD, v1;
	v6 =	vmov v32;
	v40 =	vld.idx.msk [tilespmem:v40+s3+$0x0], $0xffff;
	[tilespmem:v43+s4+$0x0] =	vst.idx.msk $0xffff, v41;
	v41 =	vor.u32 $0xE, v4  }
0x8f: {  	v33 =	vld.idx.msk [tilespmem:v33+s3+$0x0], $0xffff  }
0x90: {  	v43 =	vor.u32 v21, v6;
	v47 =	vld.idx.msk [tilespmem:v47+s3+$0x0], $0xffff  }
0x91: {  	v49 =	vor.u32 v21, v13;
	v48 =	vor.u32 $0x7, v5;
	v34 =	vld.idx.msk [tilespmem:v34+s3+$0x0], $0xffff  }
0x92: {  	v51 =	vor.u32 v21, v24;
	v52 =	vor.u32 $0x7, v8;
	v32 =	vor.u32 v27, v0;
	v50 =	vld [tilespmem:s6+$0x10];
	[tilespmem:v38+s4+$0x0] =	vst.idx.msk $0xffff, v36  }
0x93: {  	v36 =	vor.u32 $0x7, v10;
	v38 =	vld.idx.msk [tilespmem:v41+s3+$0x0], $0xffff;
	v41 =	vor.u32 v27, v2;
	[tilespmem:v39+s4+$0x0] =	vst.idx.msk $0xffff, v37;
	v2 =	vmov v24  }
0x94: {  	v24 =	vor.u32 v31, v7;
	v39 =	vor.u32 v30, v0;
	v37 =	vld.idx.msk [tilespmem:v42+s3+$0x0], $0xffff;
	v42 =	vor.u32 v31, v0  }
0x95: {  	v0 =	vmovc v13;
	v53 =	vld [tilespmem:s6+$0x0];
	[tilespmem:v43+s4+$0x0] =	vst.idx.msk $0xffff, v33;
	v33 =	vor.u32 $0xF, v4;
	v43 =	vor.u32 v27, v7;
	v7 =	vor.u32 $0xE, v1  }
0x96: {  	v13 =	vor.u32 v20, v23;
	v48 =	vld.idx.msk [tilespmem:v48+s3+$0x0], $0xffff;
	[tilespmem:v49+s4+$0x0] =	vst.idx.msk $0xffff, v47;
	v47 =	vor.u32 v22, v0  }
0x97: {  	v54 =	vor.u32 v22, v6;
	v49 =	vor.u32 $0x6, v15;
	[tilespmem:v51+s4+$0x0] =	vst.idx.msk $0xffff, v40;
	v40 =	vld.idx.msk [tilespmem:v52+s3+$0x0], $0xffff;
	v51 =	vor.u32 $0xF, v1  }
0x98: {  	v45 =	vshll.u32 v45, $0x4;
	v4 =	vmovc v15;
	v50 =	vshll.u32 v50, $0x6;
	v52 =	vor.u32 $0x8, v5;
	v1 =	vmovc v8;
	v36 =	vld.idx.msk [tilespmem:v36+s3+$0x0], $0xffff  }
0x99: {  	v8 =	vadd.s32 v50, v45;
	v45 =	vor.u32 v22, v2;
	v15 =	vld [tilespmem:s6+$0xFFFFFFF0];
	[tilespmem:v24+s4+$0x0] =	vst.idx.msk $0xffff, v38;
	v24 =	vor.u32 $0xF, v3  }
0x9a: {  	v55 =	vor.u32 v19, v0;
	v50 =	vor.u32 $0x8, v1;
	v38 =	vor.u32 $0x8, v10;
	v33 =	vld.idx.msk [tilespmem:v33+s3+$0x0], $0xffff;
	[tilespmem:v39+s4+$0x0] =	vst.idx.msk $0xffff, v37  }
0x9b: {  	s7 =	sadd.s32 $0x8, s7;
	v37 =	vor.u32 $0x9, v5;
	v39 =	vor.u32 v19, v2;
	[tilespmem:v13+s4+$0x0] =	vst.idx.msk $0xffff, v34;
	v34 =	vor.u32 $0x7, v4;
	v56 =	vld.idx.msk [tilespmem:v7+s3+$0x0], $0xffff  }
0x9c: {  	v57 =	vor.u32 v21, v23;
	v58 =	vmov s7;
	v49 =	vld.idx.msk [tilespmem:v49+s3+$0x0], $0xffff;
	[tilespmem:v54+s4+$0x0] =	vst.idx.msk $0xffff, v48;
	v48 =	vor.u32 v19, v6  }
0x9d: {  	v3 =	vmovc v10;
	v53 =	vshll.u32 v53, $0x6;
	v13 =	vshll.u32 v44, $0x4;
	v44 =	vshll.u32 v58, $0x7;
	v52 =	vld.idx.msk [tilespmem:v52+s3+$0x0], $0xffff;
	[tilespmem:v47+s4+$0x0] =	vst.idx.msk $0xffff, v40  }
0x9e: {  	v10 =	vadd.s32 v53, v13;
	v13 =	vor.u32 v9, v44;
	v40 =	vld.idx.msk [tilespmem:v8+s3+$0x0], $0xffff;
	[tilespmem:v45+s4+$0x0] =	vst.idx.msk $0xffff, v36  }
0x9f: {  	v35 =	vshll.u32 v35, $0x4;
	v7 =	vmovc v23;
	v15 =	vshll.u32 v15, $0x6;
	v36 =	vor.u32 v11, v13;
	v38 =	vld.idx.msk [tilespmem:v38+s3+$0x0], $0xffff  }
0xa0: {  	v23 =	vshll.u32 v25, $0x6;
	v44 =	vshll.u32 v46, $0x4;
	v25 =	vadd.s32 v15, v35;
	v35 =	vld.idx.msk [tilespmem:v50+s3+$0x0], $0xffff;
	[tilespmem:v43+s4+$0x0] =	vst.idx.msk $0xffff, v33  }
0xa1: {  	v15 =	vadd.s32 v23, v44;
	v23 =	vor.u32 $0x9, v3;
	v33 =	vld.idx.msk [tilespmem:v24+s3+$0x0], $0xffff;
	[tilespmem:v42+s4+$0x0] =	vst.idx.msk $0xffff, v56  }
0xa2: {  	s9 =	sadd.s32 $0xFFFFFFFE, s7;
	v43 =	vor.u32 v17, v0;
	v42 =	vor.u32 $0x9, v1;
	[tilespmem:v57+s4+$0x0] =	vst.idx.msk $0xffff, v49;
	v44 =	vld.idx.msk [tilespmem:v51+s3+$0x0], $0xffff  }
0xa3: {  	v46 =	vor.u32 v17, v6;
	v45 =	vor.u32 $0x1, v8;
	v24 =	vmov s9;
	v34 =	vld.idx.msk [tilespmem:v34+s3+$0x0], $0xffff;
	[tilespmem:v48+s4+$0x0] =	vst.idx.msk $0xffff, v52  }
0xa4: {  	v24 =	vshll.u32 v24, $0x7;
	[tilespmem:v36+s4+$0x0] =	vst.idx.msk $0xffff, v40;
	v36 =	vor.u32 v22, v7;
	v37 =	vld.idx.msk [tilespmem:v37+s3+$0x0], $0xffff  }
0xa5: {  	v47 =	vor.u32 $0x1, v10;
	v24 =	vor.u32 v9, v24;
	v48 =	vor.u32 $0x8, v4;
	v40 =	vld.idx.msk [tilespmem:v10+s3+$0x0], $0xffff;
	[tilespmem:v39+s4+$0x0] =	vst.idx.msk $0xffff, v38  }
0xa6: {  	s9 =	sadd.s32 $0xFFFFFFFC, s7;
	v38 =	vor.u32 v11, v24;
	v39 =	vor.u32 $0xA, v5;
	v49 =	vld.idx.msk [tilespmem:v23+s3+$0x0], $0xffff;
	[tilespmem:v55+s4+$0x0] =	vst.idx.msk $0xffff, v35;
	v35 =	vor.u32 $0xA, v1  }
0xa7: {  	v50 =	vor.u32 $0x1, v25;
	v51 =	vor.u32 v17, v2;
	v23 =	vmov s9;
	v42 =	vld.idx.msk [tilespmem:v42+s3+$0x0], $0xffff;
	[tilespmem:v41+s4+$0x0] =	vst.idx.msk $0xffff, v33  }
0xa8: {  	v52 =	vor.u32 $0xA, v3;
	s9 =	sadd.s32 $0xFFFFFFFA, s7;
	v23 =	vshll.u32 v23, $0x7;
	v41 =	vld.idx.msk [tilespmem:v45+s3+$0x0], $0xffff;
	v45 =	vor.u32 v19, v7;
	[tilespmem:v32+s4+$0x0] =	vst.idx.msk $0xffff, v44  }
0xa9: {  	v53 =	vor.u32 v12, v13;
	v33 =	vmov s9;
	v32 =	vor.u32 v9, v23;
	v44 =	vld.idx.msk [tilespmem:v25+s3+$0x0], $0xffff;
	[tilespmem:v36+s4+$0x0] =	vst.idx.msk $0xffff, v34  }
0xaa: {  	v23 =	vshll.u32 v33, $0x7;
	v34 =	vor.u32 v11, v32;
	v36 =	vld.idx.msk [tilespmem:v48+s3+$0x0], $0xffff;
	[tilespmem:v46+s4+$0x0] =	vst.idx.msk $0xffff, v37  }
0xab: {  	v23 =	vor.u32 v9, v23;
	v33 =	vor.u32 v20, v32;
	v37 =	vld.idx.msk [tilespmem:v15+s3+$0x0], $0xffff;
	[tilespmem:v38+s4+$0x0] =	vst.idx.msk $0xffff, v40  }
0xac: {  	v38 =	vor.u32 v11, v23;
	v40 =	vor.u32 $0x2, v8;
	v39 =	vld.idx.msk [tilespmem:v39+s3+$0x0], $0xffff;
	[tilespmem:v51+s4+$0x0] =	vst.idx.msk $0xffff, v49  }
0xad: {  	v46 =	vor.u32 $0x1, v15;
	v48 =	vor.u32 v26, v6;
	v49 =	vld.idx.msk [tilespmem:v52+s3+$0x0], $0xffff;
	[tilespmem:v43+s4+$0x0] =	vst.idx.msk $0xffff, v42  }
0xae: {  	v42 =	vor.u32 v26, v2;
	[tilespmem:v53+s4+$0x0] =	vst.idx.msk $0xffff, v41;
	v41 =	vor.u32 $0x9, v4;
	v35 =	vld.idx.msk [tilespmem:v35+s3+$0x0], $0xffff  }
0xaf: {  	v43 =	vor.u32 $0xB, v3;
	[tilespmem:v34+s4+$0x0] =	vst.idx.msk $0xffff, v44;
	v34 =	vld.idx.msk [tilespmem:v47+s3+$0x0], $0xffff;
	v44 =	vor.u32 v26, v0  }
0xb0: {  	v47 =	vld.idx.msk [tilespmem:v50+s3+$0x0], $0xffff;
	v50 =	vor.u32 v12, v24;
	[tilespmem:v45+s4+$0x0] =	vst.idx.msk $0xffff, v36;
	v36 =	vor.u32 $0xB, v5  }
0xb1: {  	[tilespmem:v38+s4+$0x0] =	vst.idx.msk $0xffff, v37;
	v37 =	vor.u32 v12, v32;
	v38 =	vor.u32 $0x2, v10;
	v40 =	vld.idx.msk [tilespmem:v40+s3+$0x0], $0xffff  }
0xb2: {  	v51 =	vor.u32 v14, v13;
	v45 =	vld.idx.msk [tilespmem:v46+s3+$0x0], $0xffff;
	v46 =	vor.u32 $0x2, v25;
	[tilespmem:v48+s4+$0x0] =	vst.idx.msk $0xffff, v39  }
0xb3: {  	v39 =	vor.u32 v12, v23;
	v48 =	vor.u32 $0x3, v8;
	v41 =	vld.idx.msk [tilespmem:v41+s3+$0x0], $0xffff;
	[tilespmem:v42+s4+$0x0] =	vst.idx.msk $0xffff, v49  }
0xb4: {  	v42 =	vor.u32 $0x2, v15;
	v49 =	vor.u32 v17, v7;
	v43 =	vld.idx.msk [tilespmem:v43+s3+$0x0], $0xffff;
	[tilespmem:v44+s4+$0x0] =	vst.idx.msk $0xffff, v35  }
0xb5: {  	[tilespmem:v50+s4+$0x0] =	vst.idx.msk $0xffff, v34;
	v34 =	vor.u32 $0xA, v4;
	v35 =	vld.idx.msk [tilespmem:v36+s3+$0x0], $0xffff;
	v36 =	vor.u32 v28, v2  }
0xb6: {  	v44 =	vor.u32 $0xC, v3;
	[tilespmem:v37+s4+$0x0] =	vst.idx.msk $0xffff, v47;
	v37 =	vld.idx.msk [tilespmem:v38+s3+$0x0], $0xffff;
	v38 =	vor.u32 v28, v6  }
0xb7: {  	v47 =	vor.u32 v14, v24;
	v46 =	vld.idx.msk [tilespmem:v46+s3+$0x0], $0xffff;
	[tilespmem:v51+s4+$0x0] =	vst.idx.msk $0xffff, v40;
	v40 =	vor.u32 $0xC, v5  }
0xb8: {  	[tilespmem:v39+s4+$0x0] =	vst.idx.msk $0xffff, v45;
	v39 =	vor.u32 v14, v32;
	v45 =	vor.u32 $0x3, v10;
	v48 =	vld.idx.msk [tilespmem:v48+s3+$0x0], $0xffff  }
0xb9: {  	v50 =	vor.u32 $0x3, v25;
	v51 =	vor.u32 v16, v13;
	v42 =	vld.idx.msk [tilespmem:v42+s3+$0x0], $0xffff;
	[tilespmem:v49+s4+$0x0] =	vst.idx.msk $0xffff, v41  }
0xba: {  	v41 =	vor.u32 v14, v23;
	v49 =	vor.u32 $0x4, v8;
	v34 =	vld.idx.msk [tilespmem:v34+s3+$0x0], $0xffff;
	[tilespmem:v36+s4+$0x0] =	vst.idx.msk $0xffff, v43  }
0xbb: {  	v36 =	vor.u32 $0x3, v15;
	v43 =	vor.u32 v26, v7;
	[tilespmem:v38+s4+$0x0] =	vst.idx.msk $0xffff, v35;
	v35 =	vld.idx.msk [tilespmem:v44+s3+$0x0], $0xffff  }
0xbc: {  	[tilespmem:v47+s4+$0x0] =	vst.idx.msk $0xffff, v37;
	v37 =	vor.u32 $0xB, v4;
	v38 =	vld.idx.msk [tilespmem:v40+s3+$0x0], $0xffff;
	v40 =	vor.u32 v29, v2  }
0xbd: {  	v44 =	vor.u32 v29, v6;
	[tilespmem:v39+s4+$0x0] =	vst.idx.msk $0xffff, v46;
	v39 =	vld.idx.msk [tilespmem:v45+s3+$0x0], $0xffff;
	v45 =	vor.u32 $0xD, v3  }
0xbe: {  	v47 =	vor.u32 v16, v24;
	v46 =	vld.idx.msk [tilespmem:v50+s3+$0x0], $0xffff;
	[tilespmem:v51+s4+$0x0] =	vst.idx.msk $0xffff, v48;
	v48 =	vor.u32 $0xD, v5  }
0xbf: {  	[tilespmem:v41+s4+$0x0] =	vst.idx.msk $0xffff, v42;
	v41 =	vor.u32 v16, v32;
	v42 =	vor.u32 $0x4, v10;
	v49 =	vld.idx.msk [tilespmem:v49+s3+$0x0], $0xffff  }
0xc0: {  	v50 =	vor.u32 $0x4, v25;
	v51 =	vor.u32 v18, v13;
	v36 =	vld.idx.msk [tilespmem:v36+s3+$0x0], $0xffff;
	[tilespmem:v43+s4+$0x0] =	vst.idx.msk $0xffff, v34  }
0xc1: {  	v34 =	vor.u32 v16, v23;
	v43 =	vor.u32 $0x5, v8;
	v37 =	vld.idx.msk [tilespmem:v37+s3+$0x0], $0xffff;
	[tilespmem:v40+s4+$0x0] =	vst.idx.msk $0xffff, v35  }
0xc2: {  	v35 =	vor.u32 $0x4, v15;
	v40 =	vor.u32 v28, v7;
	[tilespmem:v44+s4+$0x0] =	vst.idx.msk $0xffff, v38;
	v38 =	vld.idx.msk [tilespmem:v45+s3+$0x0], $0xffff  }
0xc3: {  	[tilespmem:v47+s4+$0x0] =	vst.idx.msk $0xffff, v39;
	v39 =	vor.u32 $0xC, v4;
	v45 =	vld.idx.msk [tilespmem:v48+s3+$0x0], $0xffff;
	v47 =	vor.u32 v30, v2  }
0xc4: {  	v52 =	vor.u32 $0xE, v3;
	[tilespmem:v41+s4+$0x0] =	vst.idx.msk $0xffff, v46;
	v42 =	vld.idx.msk [tilespmem:v42+s3+$0x0], $0xffff;
	v46 =	vor.u32 v30, v6  }
0xc5: {  	v53 =	vor.u32 v18, v24;
	v50 =	vld.idx.msk [tilespmem:v50+s3+$0x0], $0xffff;
	[tilespmem:v51+s4+$0x0] =	vst.idx.msk $0xffff, v49;
	v49 =	vor.u32 $0xE, v5  }
0xc6: {  	v54 =	vor.u32 $0x5, v10;
	v51 =	vor.u32 v18, v32;
	[tilespmem:v34+s4+$0x0] =	vst.idx.msk $0xffff, v36;
	v41 =	vld.idx.msk [tilespmem:v43+s3+$0x0], $0xffff  }
0xc7: {  	v55 =	vor.u32 $0x5, v25;
	v36 =	vor.u32 $0xB, v1;
	v34 =	vor.u32 v28, v0;
	v44 =	vld.idx.msk [tilespmem:v35+s3+$0x0], $0xffff;
	[tilespmem:v40+s4+$0x0] =	vst.idx.msk $0xffff, v37  }
.Ltmp0:
0xc8: {  	v48 =	vor.u32 v18, v23;
	v39 =	vld.idx.msk [tilespmem:v39+s3+$0x0], $0xffff;
	[tilespmem:v47+s4+$0x0] =	vst.idx.msk $0xffff, v38;
	(pc) =	sbr.rel @p0 .LBB2_1-.Ltmp0, $4  }
0xc9: {  	v43 =	vor.u32 v29, v7;
	[tilespmem:v46+s4+$0x0] =	vst.idx.msk $0xffff, v45;
	v37 =	vld.idx.msk [tilespmem:v52+s3+$0x0], $0xffff  }
0xca: {  	v38 =	vor.u32 $0xD, v4;
	[tilespmem:v53+s4+$0x0] =	vst.idx.msk $0xffff, v42;
	v35 =	vld.idx.msk [tilespmem:v49+s3+$0x0], $0xffff;
	v42 =	vor.u32 v31, v2  }
0xcb: {  	v40 =	vor.u32 v31, v6;
	[tilespmem:v51+s4+$0x0] =	vst.idx.msk $0xffff, v50;
	v45 =	vld.idx.msk [tilespmem:v54+s3+$0x0], $0xffff  }
0xcc: {  	v47 =	vor.u32 v20, v24;
	v46 =	vld.idx.msk [tilespmem:v55+s3+$0x0], $0xffff  }
0xcd: {  	v9 =	vor.u32 $0x5, v15;
	_ =	sdelay $0x2  }
0xce: {  	v11 =	vor.u32 $0x6, v25  }
0xcf: {  	[tilespmem:v48+s4+$0x0] =	vst.idx.msk $0xffff, v44;
	v16 =	vor.u32 $0x6, v10;
	v18 =	vor.u32 v20, v13  }
0xd0: {  	v12 =	vor.u32 v20, v23;
	v53 =	vor.u32 $0x6, v8;
	v9 =	vld.idx.msk [tilespmem:v9+s3+$0x0], $0xffff  }
0xd1: {  	v14 =	vor.u32 $0x6, v15  }
0xd2: {  	[tilespmem:v33+s4+$0x0] =	vst.idx.msk $0xffff, v46  }
0xd3: {  	v54 =	vor.u32 v21, v32;
	[tilespmem:v47+s4+$0x0] =	vst.idx.msk $0xffff, v45;
	v11 =	vld.idx.msk [tilespmem:v11+s3+$0x0], $0xffff  }
0xd4: {  	v55 =	vor.u32 $0x7, v25;
	v57 =	vor.u32 v21, v24;
	v16 =	vld.idx.msk [tilespmem:v16+s3+$0x0], $0xffff;
	[tilespmem:v18+s4+$0x0] =	vst.idx.msk $0xffff, v41  }
0xd5: {  	v59 =	vor.u32 v21, v13;
	v60 =	vor.u32 $0x7, v10;
	v20 =	vld.idx.msk [tilespmem:v53+s3+$0x0], $0xffff;
	[tilespmem:v12+s4+$0x0] =	vst.idx.msk $0xffff, v9  }
0xd6: {  	v56 =	vor.u32 v21, v23;
	v61 =	vor.u32 $0x7, v8;
	v12 =	vld.idx.msk [tilespmem:v14+s3+$0x0], $0xffff  }
0xd7: {  	v58 =	vor.u32 $0x7, v15  }
0xd8: {  	[tilespmem:v54+s4+$0x0] =	vst.idx.msk $0xffff, v11  }
0xd9: {  	v62 =	vor.u32 v22, v32;
	[tilespmem:v57+s4+$0x0] =	vst.idx.msk $0xffff, v16;
	v9 =	vld.idx.msk [tilespmem:v55+s3+$0x0], $0xffff  }
0xda: {  	v63 =	vor.u32 $0x8, v25;
	v49 =	vor.u32 v22, v24;
	[tilespmem:v59+s4+$0x0] =	vst.idx.msk $0xffff, v20;
	v18 =	vld.idx.msk [tilespmem:v60+s3+$0x0], $0xffff  }
0xdb: {  	v51 =	vor.u32 v22, v13;
	v53 =	vor.u32 $0x8, v10;
	v52 =	vld.idx.msk [tilespmem:v61+s3+$0x0], $0xffff;
	[tilespmem:v56+s4+$0x0] =	vst.idx.msk $0xffff, v12  }
0xdc: {  	v48 =	vor.u32 v22, v23;
	v54 =	vor.u32 $0x8, v8;
	v14 =	vld.idx.msk [tilespmem:v58+s3+$0x0], $0xffff  }
0xdd: {  	v50 =	vor.u32 $0x8, v15  }
0xde: {  	[tilespmem:v62+s4+$0x0] =	vst.idx.msk $0xffff, v9  }
0xdf: {  	v55 =	vor.u32 v19, v32;
	[tilespmem:v49+s4+$0x0] =	vst.idx.msk $0xffff, v18;
	v11 =	vld.idx.msk [tilespmem:v63+s3+$0x0], $0xffff  }
0xe0: {  	v56 =	vor.u32 $0x9, v25;
	v58 =	vor.u32 v19, v24;
	[tilespmem:v51+s4+$0x0] =	vst.idx.msk $0xffff, v52;
	v20 =	vld.idx.msk [tilespmem:v53+s3+$0x0], $0xffff  }
0xe1: {  	v60 =	vor.u32 v19, v13;
	v61 =	vor.u32 $0x9, v10;
	v22 =	vld.idx.msk [tilespmem:v54+s3+$0x0], $0xffff;
	[tilespmem:v48+s4+$0x0] =	vst.idx.msk $0xffff, v14  }
0xe2: {  	v57 =	vor.u32 v19, v23;
	v62 =	vor.u32 $0x9, v8;
	v16 =	vld.idx.msk [tilespmem:v50+s3+$0x0], $0xffff  }
0xe3: {  	v59 =	vor.u32 $0x9, v15  }
0xe4: {  	[tilespmem:v55+s4+$0x0] =	vst.idx.msk $0xffff, v11  }
0xe5: {  	v63 =	vor.u32 v17, v32;
	[tilespmem:v58+s4+$0x0] =	vst.idx.msk $0xffff, v20;
	v11 =	vld.idx.msk [tilespmem:v56+s3+$0x0], $0xffff  }
0xe6: {  	v44 =	vor.u32 $0xA, v25;
	v46 =	vor.u32 v17, v24;
	v18 =	vld.idx.msk [tilespmem:v61+s3+$0x0], $0xffff;
	[tilespmem:v60+s4+$0x0] =	vst.idx.msk $0xffff, v22  }
0xe7: {  	v48 =	vor.u32 v17, v13;
	v50 =	vor.u32 $0xA, v10;
	v49 =	vld.idx.msk [tilespmem:v62+s3+$0x0], $0xffff;
	[tilespmem:v57+s4+$0x0] =	vst.idx.msk $0xffff, v16  }
0xe8: {  	v45 =	vor.u32 v17, v23;
	v51 =	vor.u32 $0xA, v8;
	v14 =	vld.idx.msk [tilespmem:v59+s3+$0x0], $0xffff  }
0xe9: {  	[tilespmem:v43+s4+$0x0] =	vst.idx.msk $0xffff, v39;
	v47 =	vor.u32 $0xA, v15  }
0xea: {  	v5 =	vor.u32 $0xF, v5;
	[tilespmem:v63+s4+$0x0] =	vst.idx.msk $0xffff, v11  }
0xeb: {  	v52 =	vor.u32 v26, v32;
	[tilespmem:v46+s4+$0x0] =	vst.idx.msk $0xffff, v18;
	v9 =	vld.idx.msk [tilespmem:v44+s3+$0x0], $0xffff  }
0xec: {  	v53 =	vor.u32 $0xB, v25;
	v55 =	vor.u32 v26, v24;
	v18 =	vld.idx.msk [tilespmem:v50+s3+$0x0], $0xffff;
	[tilespmem:v48+s4+$0x0] =	vst.idx.msk $0xffff, v49  }
0xed: {  	v58 =	vor.u32 $0xB, v10;
	v59 =	vor.u32 v26, v13;
	v57 =	vld.idx.msk [tilespmem:v51+s3+$0x0], $0xffff;
	[tilespmem:v45+s4+$0x0] =	vst.idx.msk $0xffff, v14  }
0xee: {  	[tilespmem:v40+s4+$0x0] =	vst.idx.msk $0xffff, v35;
	v54 =	vor.u32 v26, v23;
	v61 =	vor.u32 $0xB, v8;
	v14 =	vld.idx.msk [tilespmem:v47+s3+$0x0], $0xffff  }
0xef: {  	v6 =	vor.u32 v27, v6;
	[tilespmem:v42+s4+$0x0] =	vst.idx.msk $0xffff, v37;
	v5 =	vld.idx.msk [tilespmem:v5+s3+$0x0], $0xffff;
	v56 =	vor.u32 $0xB, v15  }
0xf0: {  	v60 =	vld.idx.msk [tilespmem:v36+s3+$0x0], $0xffff;
	[tilespmem:v52+s4+$0x0] =	vst.idx.msk $0xffff, v9  }
0xf1: {  	v40 =	vor.u32 $0xC, v1;
	v41 =	vor.u32 v28, v32;
	[tilespmem:v55+s4+$0x0] =	vst.idx.msk $0xffff, v18;
	v11 =	vld.idx.msk [tilespmem:v53+s3+$0x0], $0xffff  }
0xf2: {  	v42 =	vor.u32 $0xC, v25;
	v44 =	vor.u32 v28, v24;
	v18 =	vld.idx.msk [tilespmem:v58+s3+$0x0], $0xffff;
	[tilespmem:v59+s4+$0x0] =	vst.idx.msk $0xffff, v57  }
0xf3: {  	v46 =	vor.u32 $0xC, v10;
	v47 =	vor.u32 v28, v13;
	v48 =	vld.idx.msk [tilespmem:v61+s3+$0x0], $0xffff;
	[tilespmem:v54+s4+$0x0] =	vst.idx.msk $0xffff, v14  }
0xf4: {  	v43 =	vor.u32 v28, v23;
	[tilespmem:v6+s4+$0x0] =	vst.idx.msk $0xffff, v5;
	v49 =	vor.u32 $0xC, v8;
	v16 =	vld.idx.msk [tilespmem:v56+s3+$0x0], $0xffff  }
0xf5: {  	v62 =	vld.idx.msk [tilespmem:v38+s3+$0x0], $0xffff;
	v63 =	vor.u32 v30, v7;
	[tilespmem:v34+s4+$0x0] =	vst.idx.msk $0xffff, v60;
	v45 =	vor.u32 $0xC, v15  }
0xf6: {  	v3 =	vor.u32 $0xF, v3;
	v50 =	vor.u32 v29, v0;
	v9 =	vld.idx.msk [tilespmem:v40+s3+$0x0], $0xffff;
	[tilespmem:v41+s4+$0x0] =	vst.idx.msk $0xffff, v11  }
0xf7: {  	v52 =	vor.u32 $0xD, v1;
	v53 =	vor.u32 v29, v32;
	[tilespmem:v44+s4+$0x0] =	vst.idx.msk $0xffff, v18;
	v12 =	vld.idx.msk [tilespmem:v42+s3+$0x0], $0xffff  }
0xf8: {  	v54 =	vor.u32 $0xD, v25;
	v19 =	vld.idx.msk [tilespmem:v46+s3+$0x0], $0xffff;
	v56 =	vor.u32 v29, v24;
	[tilespmem:v47+s4+$0x0] =	vst.idx.msk $0xffff, v48  }
0xf9: {  	v60 =	vor.u32 v29, v13;
	v58 =	vor.u32 $0xD, v10;
	v59 =	vld.idx.msk [tilespmem:v49+s3+$0x0], $0xffff;
	[tilespmem:v43+s4+$0x0] =	vst.idx.msk $0xffff, v16  }
0xfa: {  	[tilespmem:v63+s4+$0x0] =	vst.idx.msk $0xffff, v62;
	v63 =	vor.u32 $0xD, v8;
	v55 =	vor.u32 v29, v23;
	v17 =	vld.idx.msk [tilespmem:v45+s3+$0x0], $0xffff  }
0xfb: {  	v2 =	vor.u32 v27, v2;
	v3 =	vld.idx.msk [tilespmem:v3+s3+$0x0], $0xffff;
	v57 =	vor.u32 $0xD, v15;
	[tilespmem:v50+s4+$0x0] =	vst.idx.msk $0xffff, v9  }
0xfc: {  	v33 =	vor.u32 v30, v0;
	v51 =	vor.u32 $0xE, v4;
	v11 =	vld.idx.msk [tilespmem:v52+s3+$0x0], $0xffff;
	[tilespmem:v53+s4+$0x0] =	vst.idx.msk $0xffff, v12  }
0xfd: {  	v35 =	vor.u32 $0xE, v1;
	v36 =	vor.u32 v30, v32;
	[tilespmem:v56+s4+$0x0] =	vst.idx.msk $0xffff, v19;
	v14 =	vld.idx.msk [tilespmem:v54+s3+$0x0], $0xffff  }
0xfe: {  	v39 =	vor.u32 v30, v24;
	v37 =	vor.u32 $0xE, v25;
	v5 =	vld.idx.msk [tilespmem:v58+s3+$0x0], $0xffff;
	[tilespmem:v60+s4+$0x0] =	vst.idx.msk $0xffff, v59  }
0xff: {  	v41 =	vor.u32 $0xE, v10;
	v43 =	vor.u32 v30, v13;
	v42 =	vld.idx.msk [tilespmem:v63+s3+$0x0], $0xffff;
	[tilespmem:v55+s4+$0x0] =	vst.idx.msk $0xffff, v17  }
0x100: {  	[tilespmem:v2+s4+$0x0] =	vst.idx.msk $0xffff, v3;
	v38 =	vor.u32 v30, v23;
	v45 =	vor.u32 $0xE, v8;
	v18 =	vld.idx.msk [tilespmem:v57+s3+$0x0], $0xffff  }
0x101: {  	v62 =	vor.u32 v31, v7;
	v40 =	vor.u32 $0xE, v15;
	v61 =	vld.idx.msk [tilespmem:v51+s3+$0x0], $0xffff;
	[tilespmem:v33+s4+$0x0] =	vst.idx.msk $0xffff, v11  }
0x102: {  	v34 =	vor.u32 $0xF, v4;
	v46 =	vor.u32 v31, v0;
	v12 =	vld.idx.msk [tilespmem:v35+s3+$0x0], $0xffff;
	[tilespmem:v36+s4+$0x0] =	vst.idx.msk $0xffff, v14  }
0x103: {  	v47 =	vor.u32 $0xF, v1;
	v48 =	vor.u32 v31, v32;
	[tilespmem:v39+s4+$0x0] =	vst.idx.msk $0xffff, v5;
	v14 =	vld.idx.msk [tilespmem:v37+s3+$0x0], $0xffff  }
0x104: {  	v52 =	vor.u32 v31, v24;
	v49 =	vor.u32 $0xF, v25;
	v6 =	vld.idx.msk [tilespmem:v41+s3+$0x0], $0xffff;
	[tilespmem:v43+s4+$0x0] =	vst.idx.msk $0xffff, v42  }
0x105: {  	v54 =	vor.u32 v31, v13;
	v55 =	vor.u32 $0xF, v10;
	v9 =	vld.idx.msk [tilespmem:v45+s3+$0x0], $0xffff;
	[tilespmem:v38+s4+$0x0] =	vst.idx.msk $0xffff, v18  }
0x106: {  	v51 =	vor.u32 v31, v23;
	[tilespmem:v62+s4+$0x0] =	vst.idx.msk $0xffff, v61;
	v56 =	vor.u32 $0xF, v8;
	v50 =	vld.idx.msk [tilespmem:v40+s3+$0x0], $0xffff  }
0x107: {  	v44 =	vor.u32 v27, v7;
	v4 =	vld.idx.msk [tilespmem:v34+s3+$0x0], $0xffff;
	v53 =	vor.u32 $0xF, v15;
	[tilespmem:v46+s4+$0x0] =	vst.idx.msk $0xffff, v12  }
0x108: {  	v1 =	vld.idx.msk [tilespmem:v47+s3+$0x0], $0xffff;
	v57 =	vor.u32 v27, v0;
	[tilespmem:v48+s4+$0x0] =	vst.idx.msk $0xffff, v14  }
0x109: {  	v58 =	vor.u32 v27, v32;
	[tilespmem:v52+s4+$0x0] =	vst.idx.msk $0xffff, v6;
	v5 =	vld.idx.msk [tilespmem:v49+s3+$0x0], $0xffff  }
0x10a: {  	v61 =	vor.u32 v27, v24;
	v7 =	vld.idx.msk [tilespmem:v55+s3+$0x0], $0xffff;
	[tilespmem:v54+s4+$0x0] =	vst.idx.msk $0xffff, v9  }
0x10b: {  	v62 =	vor.u32 v27, v13;
	v63 =	vld.idx.msk [tilespmem:v56+s3+$0x0], $0xffff;
	[tilespmem:v51+s4+$0x0] =	vst.idx.msk $0xffff, v50  }
0x10c: {  	[tilespmem:v44+s4+$0x0] =	vst.idx.msk $0xffff, v4;
	v59 =	vor.u32 v27, v23;
	v60 =	vld.idx.msk [tilespmem:v53+s3+$0x0], $0xffff  }
0x10d: {  	[tilespmem:v57+s4+$0x0] =	vst.idx.msk $0xffff, v1  }
0x10e: {  	[tilespmem:v58+s4+$0x0] =	vst.idx.msk $0xffff, v5  }
0x10f: {  	[tilespmem:v61+s4+$0x0] =	vst.idx.msk $0xffff, v7  }
0x110: {  	s28 =	sshll.u32 s1, $0xB;
	s29 =	simm.s32 $0x0;
	[tilespmem:v62+s4+$0x0] =	vst.idx.msk $0xffff, v63  }
0x111: {  	s30 =	simm.s32 $0xB80;
	s31 =	simm.s32 $0x2;
	s2 =	sadd.s32 s2, s28;
	[tilespmem:v59+s4+$0x0] =	vst.idx.msk $0xffff, v60  }
0x112: {  	[hbm4b:s2+s29] =	stream.linear.scatter [tilespmem:s30], [sflag:$0x2], $0x4000, $0x38;
	[tilespmem:$0x4B80] =	vst v63  }
0x113: {  	_ =	swait.ge [sflag:s31], $0x4000  }
0x114: {  	[sflag:s31] =	ssyncset.done $0x0  }
0x115: {  	[sflag:s31] =	ssyncadd.s32 $0xFFFFC000  }
0x116: {  	_ =	sfence.sel $0x180000  }
0x117: {  	[bflag:$0x0] =	sbarrier.arrive $0xFFFF  }
0x118: {  	p0 =	sne.s32 s1, $0x0;
	_ =	strace $0x90000047  }
0x119: {  	s0 =	sadd.s32 @!p0 $0x100000, s0;
	[bflag:$0x2] =	sbarrier.arrive $0xFFFF  }
0x11a: {  	[sflag:s0] =	ssyncadd.tile.s32 @!p0 $0x1;
	_ =	shalt  }
.Lfunc_end2:
_tile_overlayer_lowered:
.L_overlay_start_2:
0x11b: {  	(tag) =	ssettag $0x2  }
0x11c: {  	s0 =	rddreg [dreg:$0x0];
	s2 =	stileid.u32  }
0x11d: {  	s1 =	rddreg [dreg:$0x1];
	p0 =	sne.s32 s2, $0x0  }
0x11e: {  	s3 =	rddreg [dreg:$0x2];
	[bflag:$0x3] =	sbarrier.arrive $0xFFFF;
	s2 =	simm.s32 @!p0 $0x1C02  }
0x11f: {  	[timem:s3], [sflag:s2] =	dma.local @!p0 [hbm:s0], s1  }
0x120: {  	s0 =	simm.s32 @!p0 $0x2  }
0x121: {  	_ =	swait.ge @!p0 [sflag:s0], s1  }
0x122: {  	s1 =	ssub.s32 @!p0 $0x0, s1;
	[sflag:s0] =	ssyncset.done @!p0 $0x0  }
0x123: {  	[sflag:s0] =	ssyncadd.s32 @!p0 s1  }
0x124: {  	[bflag:$0x3] =	sbarrier.arrive $0xFFFF  }
0x125: {  	_ =	shalt  }

</sc_bundles>
